<compile_context>
chip_gen: v7x
topology: tpu7x:2x2x1
jax: 0.10.2.dev20260603
libtpu: 0.0.44.dev20260713+nightly
codegen_flags: <defaults>
</compile_context>

<pallas_src>
import functools

import jax
import jax.numpy as jnp
from jax import lax
from jax.experimental import pallas as pl
from jax.experimental.pallas import tpu as pltpu
from jax.experimental.pallas import tpu_sc as plsc

D_EMB = 1000
ROWS = 4096
COLS = 20
N = ROWS * COLS
NC, NS, L = 2, 16, 16
NW = NC * NS
RPW = N // NW
ZWORDS = 80_000
NZDMA = RPW * D_EMB // ZWORDS
IPT = 128
NIDMA = RPW // IPT

_mesh = plsc.VectorSubcoreMesh(core_axis_name="c", subcore_axis_name="s")


@functools.partial(
    pl.kernel,
    mesh=_mesh,
    out_type=jax.ShapeDtypeStruct((N * D_EMB,), jnp.float32),
    scratch_types=[
        pltpu.VMEM((ZWORDS,), jnp.float32),
        pltpu.VMEM((RPW,), jnp.int32),
        pltpu.VMEM((NIDMA, IPT), jnp.int32),
        pltpu.VMEM((IPT,), jnp.float32),
        pltpu.SemaphoreType.DMA,
        pltpu.SemaphoreType.DMA,
    ],
    compiler_params=pltpu.CompilerParams(needs_layout_passes=False),
)
def _sc_onehot(x_hbm, out_hbm, zb, xall, offs, fives, sem1, sem2):
    sid = lax.axis_index("s")
    wid = sid * NC + lax.axis_index("c")
    gbase = wid * RPW

    zeros16 = jnp.zeros((L,), jnp.float32)
    lane = lax.iota(jnp.int32, L)

    def zbody(k, carry):
        for u in range(8):
            zb[pl.ds((k * 8 + u) * L, L)] = zeros16
        return carry

    lax.fori_loop(0, ZWORDS // (8 * L), zbody, 0)

    pltpu.sync_copy(x_hbm.at[pl.ds(gbase, RPW)], xall)
    for u in range(IPT // L):
        fives[pl.ds(u * L, L)] = jnp.full((L,), 5.0, jnp.float32)

    def obody(k, carry):
        j = k // (IPT // L)
        c = (k % (IPT // L)) * L
        xv = xall[pl.ds(k * L, L)]
        offs[j, pl.ds(c, L)] = (gbase + k * L + lane) * D_EMB + xv
        return carry

    lax.fori_loop(0, RPW // L, obody, 0)

    zhandles = []
    for k in range(NZDMA):
        zhandles.append(
            pltpu.async_copy(
                zb,
                out_hbm.at[pl.ds(gbase * D_EMB + k * ZWORDS, ZWORDS)],
                sem1,
            )
        )
    for h in zhandles:
        h.wait()

    ihandles = []
    for j in range(NIDMA):
        ihandles.append(
            pltpu.async_copy(fives, out_hbm.at[offs.at[j]], sem2)
        )
    for h in ihandles:
        h.wait()


def kernel(x):
    flat = _sc_onehot(x.reshape(N))
    return flat.reshape(ROWS, COLS, D_EMB)

# --- scband reference (transcript-rebuilt; emitter-appended) ---
"""Pipeline reference for scband-one-hot-11312943857865 (READ-ONLY COPY).

The authoritative reference and input builder live on the scoring server;
editing this copy changes nothing except your own understanding.
"""

import jax, jax.numpy as jnp
import numpy as np

D_EMBEDDING = 1000

def setup_inputs(seed: int = 0) -> dict:
    key = jax.random.key(seed)
    x = jax.random.randint(key, (4096, 20), 0, D_EMBEDDING, dtype=jnp.int64 if jax.config.read('jax_enable_x64') else jnp.int32)
    return {"x": x}

def reference(x) -> jnp.ndarray:
    # F.one_hot(x, d_Embedding).float() * 5
    return jax.nn.one_hot(x, D_EMBEDDING, dtype=jnp.float32) * 5.0

if __name__ == "__main__":
    import jax
    _d = setup_inputs()
    print(jax.jit(kernel)(*tuple(_d.values())))

</pallas_src>

<mosaic_0001>
#map = affine_map<(d0, d1) -> (0)>
module attributes {stable_mosaic.version = 14 : i64} {
  func.func @_sc_onehot(%arg0: i32, %arg1: i32, %arg2: memref<81920xi32, #tpu.memory_space<hbm>>, %arg3: memref<81920000xf32, #tpu.memory_space<hbm>>, %arg4: memref<80000xf32, #tpu.memory_space<vmem>>, %arg5: memref<2560xi32, #tpu.memory_space<vmem>>, %arg6: memref<20x128xi32, #tpu.memory_space<vmem>>, %arg7: memref<128xf32, #tpu.memory_space<vmem>>, %arg8: memref<!tpu.dma_semaphore, #tpu.memory_space<semaphore_mem>>, %arg9: memref<!tpu.dma_semaphore, #tpu.memory_space<semaphore_mem>>) attributes {dimension_semantics = [#tpu.dimension_semantics<core_parallel>, #tpu.dimension_semantics<subcore_parallel>], iteration_bounds = array<i64: 2, 16>, scalar_prefetch = 0 : i64, scratch_operands = 6 : i64, tpu.core_type = #tpu.core_type<sc_vector_subcore>, window_params = [{transform_indices = #map}, {transform_indices = #map}]} {
    %mul3A = arith.constant 2 : i32
    %mul3A_0 = arith.muli %arg1, %mul3A : i32
    %add3A = arith.addi %mul3A_0, %arg0 : i32
    %mul3A_1 = arith.constant 2560 : i32
    %mul3A_2 = arith.muli %add3A, %mul3A_1 : i32
    %broadcast_in_dim3A = arith.constant 0.000000e+00 : f32
    %broadcast_in_dim3A_3 = vector.broadcast %broadcast_in_dim3A : f32 to vector<16xf32>
    %iota3A = tpu.iota {dimensions = array<i32: 0>} : vector<16xi32>
    %scan3A = arith.constant 0 : i32
    %scan3A_4 = arith.constant 0 : i32
    %scan3A_5 = arith.constant 625 : i32
    %scan3A_6 = arith.addi %scan3A_4, %scan3A_5 : i32
    %scan3A_7 = arith.constant 1 : i32
    scf.for %scan3A_540 = %scan3A_4 to %scan3A_6 step %scan3A_7  : i32 {
      %mul3A_541 = arith.constant 8 : i32
      %mul3A_542 = arith.muli %scan3A_540, %mul3A_541 : i32
      %add3A_543 = arith.constant 0 : i32
      %add3A_544 = arith.addi %mul3A_542, %add3A_543 : i32
      %mul3A_545 = arith.constant 16 : i32
      %mul3A_546 = arith.muli %add3A_544, %mul3A_545 : i32
      %swap3A_547 = arith.index_cast %mul3A_546 : i32 to index
      %swap3A_548 = tpu.vector_load %arg4[%swap3A_547] {strides = array<i32>} : memref<80000xf32, #tpu.memory_space<vmem>>, vector<16xf32>,
      tpu.vector_store %arg4[%swap3A_547], %broadcast_in_dim3A_3 {strides = array<i32>} : memref<80000xf32, #tpu.memory_space<vmem>>, vector<16xf32>,
      %mul3A_549 = arith.constant 8 : i32
      %mul3A_550 = arith.muli %scan3A_540, %mul3A_549 : i32
      %add3A_551 = arith.constant 1 : i32
      %add3A_552 = arith.addi %mul3A_550, %add3A_551 : i32
      %mul3A_553 = arith.constant 16 : i32
      %mul3A_554 = arith.muli %add3A_552, %mul3A_553 : i32
      %swap3A_555 = arith.index_cast %mul3A_554 : i32 to index
      %swap3A_556 = tpu.vector_load %arg4[%swap3A_555] {strides = array<i32>} : memref<80000xf32, #tpu.memory_space<vmem>>, vector<16xf32>,
      tpu.vector_store %arg4[%swap3A_555], %broadcast_in_dim3A_3 {strides = array<i32>} : memref<80000xf32, #tpu.memory_space<vmem>>, vector<16xf32>,
      %mul3A_557 = arith.constant 8 : i32
      %mul3A_558 = arith.muli %scan3A_540, %mul3A_557 : i32
      %add3A_559 = arith.constant 2 : i32
      %add3A_560 = arith.addi %mul3A_558, %add3A_559 : i32
      %mul3A_561 = arith.constant 16 : i32
      %mul3A_562 = arith.muli %add3A_560, %mul3A_561 : i32
      %swap3A_563 = arith.index_cast %mul3A_562 : i32 to index
      %swap3A_564 = tpu.vector_load %arg4[%swap3A_563] {strides = array<i32>} : memref<80000xf32, #tpu.memory_space<vmem>>, vector<16xf32>,
      tpu.vector_store %arg4[%swap3A_563], %broadcast_in_dim3A_3 {strides = array<i32>} : memref<80000xf32, #tpu.memory_space<vmem>>, vector<16xf32>,
      %mul3A_565 = arith.constant 8 : i32
      %mul3A_566 = arith.muli %scan3A_540, %mul3A_565 : i32
      %add3A_567 = arith.constant 3 : i32
      %add3A_568 = arith.addi %mul3A_566, %add3A_567 : i32
      %mul3A_569 = arith.constant 16 : i32
      %mul3A_570 = arith.muli %add3A_568, %mul3A_569 : i32
      %swap3A_571 = arith.index_cast %mul3A_570 : i32 to index
      %swap3A_572 = tpu.vector_load %arg4[%swap3A_571] {strides = array<i32>} : memref<80000xf32, #tpu.memory_space<vmem>>, vector<16xf32>,
      tpu.vector_store %arg4[%swap3A_571], %broadcast_in_dim3A_3 {strides = array<i32>} : memref<80000xf32, #tpu.memory_space<vmem>>, vector<16xf32>,
      %mul3A_573 = arith.constant 8 : i32
      %mul3A_574 = arith.muli %scan3A_540, %mul3A_573 : i32
      %add3A_575 = arith.constant 4 : i32
      %add3A_576 = arith.addi %mul3A_574, %add3A_575 : i32
      %mul3A_577 = arith.constant 16 : i32
      %mul3A_578 = arith.muli %add3A_576, %mul3A_577 : i32
      %swap3A_579 = arith.index_cast %mul3A_578 : i32 to index
      %swap3A_580 = tpu.vector_load %arg4[%swap3A_579] {strides = array<i32>} : memref<80000xf32, #tpu.memory_space<vmem>>, vector<16xf32>,
      tpu.vector_store %arg4[%swap3A_579], %broadcast_in_dim3A_3 {strides = array<i32>} : memref<80000xf32, #tpu.memory_space<vmem>>, vector<16xf32>,
      %mul3A_581 = arith.constant 8 : i32
      %mul3A_582 = arith.muli %scan3A_540, %mul3A_581 : i32
      %add3A_583 = arith.constant 5 : i32
      %add3A_584 = arith.addi %mul3A_582, %add3A_583 : i32
      %mul3A_585 = arith.constant 16 : i32
      %mul3A_586 = arith.muli %add3A_584, %mul3A_585 : i32
      %swap3A_587 = arith.index_cast %mul3A_586 : i32 to index
      %swap3A_588 = tpu.vector_load %arg4[%swap3A_587] {strides = array<i32>} : memref<80000xf32, #tpu.memory_space<vmem>>, vector<16xf32>,
      tpu.vector_store %arg4[%swap3A_587], %broadcast_in_dim3A_3 {strides = array<i32>} : memref<80000xf32, #tpu.memory_space<vmem>>, vector<16xf32>,
      %mul3A_589 = arith.constant 8 : i32
      %mul3A_590 = arith.muli %scan3A_540, %mul3A_589 : i32
      %add3A_591 = arith.constant 6 : i32
      %add3A_592 = arith.addi %mul3A_590, %add3A_591 : i32
      %mul3A_593 = arith.constant 16 : i32
      %mul3A_594 = arith.muli %add3A_592, %mul3A_593 : i32
      %swap3A_595 = arith.index_cast %mul3A_594 : i32 to index
      %swap3A_596 = tpu.vector_load %arg4[%swap3A_595] {strides = array<i32>} : memref<80000xf32, #tpu.memory_space<vmem>>, vector<16xf32>,
      tpu.vector_store %arg4[%swap3A_595], %broadcast_in_dim3A_3 {strides = array<i32>} : memref<80000xf32, #tpu.memory_space<vmem>>, vector<16xf32>,
      %mul3A_597 = arith.constant 8 : i32
      %mul3A_598 = arith.muli %scan3A_540, %mul3A_597 : i32
      %add3A_599 = arith.constant 7 : i32
      %add3A_600 = arith.addi %mul3A_598, %add3A_599 : i32
      %mul3A_601 = arith.constant 16 : i32
      %mul3A_602 = arith.muli %add3A_600, %mul3A_601 : i32
      %swap3A_603 = arith.index_cast %mul3A_602 : i32 to index
      %swap3A_604 = tpu.vector_load %arg4[%swap3A_603] {strides = array<i32>} : memref<80000xf32, #tpu.memory_space<vmem>>, vector<16xf32>,
      tpu.vector_store %arg4[%swap3A_603], %broadcast_in_dim3A_3 {strides = array<i32>} : memref<80000xf32, #tpu.memory_space<vmem>>, vector<16xf32>,
    }
    %scan3A_8 = arith.constant 625 : i32
    "tpu.region"() ({
      %run_scoped3A = tpu.sem_alloc : memref<!tpu.dma_semaphore, #tpu.memory_space<semaphore_mem>>
      %dma_start3A_540 = tpu.memref_slice %arg2[%mul3A_2] : memref<81920xi32, #tpu.memory_space<hbm>> -> memref<2560xi32, #tpu.memory_space<hbm>>
      %dma_start3A_541 = tpu.memref_slice %arg2[%mul3A_2] : memref<81920xi32, #tpu.memory_space<hbm>> -> memref<2560xi32, #tpu.memory_space<hbm>>
      tpu.enqueue_dma source(%dma_start3A_541 : memref<2560xi32, #tpu.memory_space<hbm>>) target(%arg5 : memref<2560xi32, #tpu.memory_space<vmem>>) target_semaphore(%run_scoped3A : memref<!tpu.dma_semaphore, #tpu.memory_space<semaphore_mem>>)
      %dma_wait3A_542 = tpu.memref_slice %arg2[%mul3A_2] : memref<81920xi32, #tpu.memory_space<hbm>> -> memref<2560xi32, #tpu.memory_space<hbm>>
      %dma_wait3A_543 = tpu.memref_slice %arg2[%mul3A_2] : memref<81920xi32, #tpu.memory_space<hbm>> -> memref<2560xi32, #tpu.memory_space<hbm>>
      tpu.wait_dma2 semaphore(%run_scoped3A : memref<!tpu.dma_semaphore, #tpu.memory_space<semaphore_mem>>) src(%dma_wait3A_543 : memref<2560xi32, #tpu.memory_space<hbm>>) dst(%arg5 : memref<2560xi32, #tpu.memory_space<vmem>>)
      tpu.yield
    }) : () -> ()
    %broadcast_in_dim3A_9 = arith.constant 5.000000e+00 : f32
    %broadcast_in_dim3A_10 = vector.broadcast %broadcast_in_dim3A_9 : f32 to vector<16xf32>
    %swap3A = arith.constant 0 : index
    %swap3A_11 = tpu.vector_load %arg7[%swap3A] {strides = array<i32>} : memref<128xf32, #tpu.memory_space<vmem>>, vector<16xf32>,
    tpu.vector_store %arg7[%swap3A], %broadcast_in_dim3A_10 {strides = array<i32>} : memref<128xf32, #tpu.memory_space<vmem>>, vector<16xf32>,
    %broadcast_in_dim3A_12 = arith.constant 5.000000e+00 : f32
    %broadcast_in_dim3A_13 = vector.broadcast %broadcast_in_dim3A_12 : f32 to vector<16xf32>
    %swap3A_14 = arith.constant 16 : index
    %swap3A_15 = tpu.vector_load %arg7[%swap3A_14] {strides = array<i32>} : memref<128xf32, #tpu.memory_space<vmem>>, vector<16xf32>,
    tpu.vector_store %arg7[%swap3A_14], %broadcast_in_dim3A_13 {strides = array<i32>} : memref<128xf32, #tpu.memory_space<vmem>>, vector<16xf32>,
    %broadcast_in_dim3A_16 = arith.constant 5.000000e+00 : f32
    %broadcast_in_dim3A_17 = vector.broadcast %broadcast_in_dim3A_16 : f32 to vector<16xf32>
    %swap3A_18 = arith.constant 32 : index
    %swap3A_19 = tpu.vector_load %arg7[%swap3A_18] {strides = array<i32>} : memref<128xf32, #tpu.memory_space<vmem>>, vector<16xf32>,
    tpu.vector_store %arg7[%swap3A_18], %broadcast_in_dim3A_17 {strides = array<i32>} : memref<128xf32, #tpu.memory_space<vmem>>, vector<16xf32>,
    %broadcast_in_dim3A_20 = arith.constant 5.000000e+00 : f32
    %broadcast_in_dim3A_21 = vector.broadcast %broadcast_in_dim3A_20 : f32 to vector<16xf32>
    %swap3A_22 = arith.constant 48 : index
    %swap3A_23 = tpu.vector_load %arg7[%swap3A_22] {strides = array<i32>} : memref<128xf32, #tpu.memory_space<vmem>>, vector<16xf32>,
    tpu.vector_store %arg7[%swap3A_22], %broadcast_in_dim3A_21 {strides = array<i32>} : memref<128xf32, #tpu.memory_space<vmem>>, vector<16xf32>,
    %broadcast_in_dim3A_24 = arith.constant 5.000000e+00 : f32
    %broadcast_in_dim3A_25 = vector.broadcast %broadcast_in_dim3A_24 : f32 to vector<16xf32>
    %swap3A_26 = arith.constant 64 : index
    %swap3A_27 = tpu.vector_load %arg7[%swap3A_26] {strides = array<i32>} : memref<128xf32, #tpu.memory_space<vmem>>, vector<16xf32>,
    tpu.vector_store %arg7[%swap3A_26], %broadcast_in_dim3A_25 {strides = array<i32>} : memref<128xf32, #tpu.memory_space<vmem>>, vector<16xf32>,
    %broadcast_in_dim3A_28 = arith.constant 5.000000e+00 : f32
    %broadcast_in_dim3A_29 = vector.broadcast %broadcast_in_dim3A_28 : f32 to vector<16xf32>
    %swap3A_30 = arith.constant 80 : index
    %swap3A_31 = tpu.vector_load %arg7[%swap3A_30] {strides = array<i32>} : memref<128xf32, #tpu.memory_space<vmem>>, vector<16xf32>,
    tpu.vector_store %arg7[%swap3A_30], %broadcast_in_dim3A_29 {strides = array<i32>} : memref<128xf32, #tpu.memory_space<vmem>>, vector<16xf32>,
    %broadcast_in_dim3A_32 = arith.constant 5.000000e+00 : f32
    %broadcast_in_dim3A_33 = vector.broadcast %broadcast_in_dim3A_32 : f32 to vector<16xf32>
    %swap3A_34 = arith.constant 96 : index
    %swap3A_35 = tpu.vector_load %arg7[%swap3A_34] {strides = array<i32>} : memref<128xf32, #tpu.memory_space<vmem>>, vector<16xf32>,
    tpu.vector_store %arg7[%swap3A_34], %broadcast_in_dim3A_33 {strides = array<i32>} : memref<128xf32, #tpu.memory_space<vmem>>, vector<16xf32>,
    %broadcast_in_dim3A_36 = arith.constant 5.000000e+00 : f32
    %broadcast_in_dim3A_37 = vector.broadcast %broadcast_in_dim3A_36 : f32 to vector<16xf32>
    %swap3A_38 = arith.constant 112 : index
    %swap3A_39 = tpu.vector_load %arg7[%swap3A_38] {strides = array<i32>} : memref<128xf32, #tpu.memory_space<vmem>>, vector<16xf32>,
    tpu.vector_store %arg7[%swap3A_38], %broadcast_in_dim3A_37 {strides = array<i32>} : memref<128xf32, #tpu.memory_space<vmem>>, vector<16xf32>,
    %scan3A_40 = arith.constant 0 : i32
    %scan3A_41 = arith.constant 0 : i32
    %scan3A_42 = arith.constant 160 : i32
    %scan3A_43 = arith.addi %scan3A_41, %scan3A_42 : i32
    %scan3A_44 = arith.constant 1 : i32
    scf.for %scan3A_540 = %scan3A_41 to %scan3A_43 step %scan3A_44  : i32 {
      %jit3A = arith.constant 8 : i32
      %div3A = arith.divsi %scan3A_540, %jit3A : i32
      %sign3A = arith.constant 0 : i32
      %sign3A_541 = arith.cmpi sgt, %scan3A_540, %sign3A : i32
      %sign3A_542 = arith.extui %sign3A_541 : i1 to i32
      %sign3A_543 = arith.constant 0 : i32
      %sign3A_544 = arith.cmpi slt, %scan3A_540, %sign3A_543 : i32
      %sign3A_545 = arith.extui %sign3A_544 : i1 to i32
      %sign3A_546 = arith.subi %sign3A_542, %sign3A_545 : i32
      %sign3A_547 = arith.constant 0 : i32
      %sign3A_548 = arith.cmpi sgt, %jit3A, %sign3A_547 : i32
      %sign3A_549 = arith.extui %sign3A_548 : i1 to i32
      %sign3A_550 = arith.constant 0 : i32
      %sign3A_551 = arith.cmpi slt, %jit3A, %sign3A_550 : i32
      %sign3A_552 = arith.extui %sign3A_551 : i1 to i32
      %sign3A_553 = arith.subi %sign3A_549, %sign3A_552 : i32
      %ne3A = arith.cmpi ne, %sign3A_546, %sign3A_553 : i32
      %rem3A = arith.remsi %scan3A_540, %jit3A : i32
      %ne3A_554 = arith.constant 0 : i32
      %ne3A_555 = arith.cmpi ne, %rem3A, %ne3A_554 : i32
      %and3A = arith.andi %ne3A, %ne3A_555 : i1
      %sub3A = arith.constant 1 : i32
      %sub3A_556 = arith.subi %div3A, %sub3A : i32
      %select_n3A = arith.select %and3A, %sub3A_556, %div3A : i32
      %jit3A_557 = arith.constant 8 : i32
      %eq3A = arith.constant 0 : i32
      %eq3A_558 = arith.cmpi eq, %jit3A_557, %eq3A : i32
      %jit3A_559 = arith.constant 1 : i32
      %select_n3A_560 = arith.select %eq3A_558, %jit3A_559, %jit3A_557 : i32
      %rem3A_561 = arith.remsi %scan3A_540, %select_n3A_560 : i32
      %ne3A_562 = arith.constant 0 : i32
      %ne3A_563 = arith.cmpi ne, %rem3A_561, %ne3A_562 : i32
      %lt3A = arith.constant 0 : i32
      %lt3A_564 = arith.cmpi slt, %rem3A_561, %lt3A : i32
      %lt3A_565 = arith.constant 0 : i32
      %lt3A_566 = arith.cmpi slt, %select_n3A_560, %lt3A_565 : i32
      %ne3A_567 = arith.xori %lt3A_564, %lt3A_566 : i1
      %and3A_568 = arith.andi %ne3A_567, %ne3A_563 : i1
      %add3A_569 = arith.addi %rem3A_561, %select_n3A_560 : i32
      %select_n3A_570 = arith.select %and3A_568, %add3A_569, %rem3A_561 : i32
      %mul3A_571 = arith.constant 16 : i32
      %mul3A_572 = arith.muli %select_n3A_570, %mul3A_571 : i32
      %mul3A_573 = arith.constant 16 : i32
      %mul3A_574 = arith.muli %scan3A_540, %mul3A_573 : i32
      %get3A = arith.index_cast %mul3A_574 : i32 to index
      %get3A_575 = tpu.vector_load %arg5[%get3A] {strides = array<i32>} : memref<2560xi32, #tpu.memory_space<vmem>>, vector<16xi32>,
      %mul3A_576 = arith.constant 16 : i32
      %mul3A_577 = arith.muli %scan3A_540, %mul3A_576 : i32
      %add3A_578 = arith.addi %mul3A_2, %mul3A_577 : i32
      %add3A_579 = vector.broadcast %add3A_578 : i32 to vector<16xi32>
      %add3A_580 = arith.addi %add3A_579, %iota3A : vector<16xi32>
      %mul3A_581 = arith.constant 1000 : i32
      %mul3A_582 = vector.broadcast %mul3A_581 : i32 to vector<16xi32>
      %mul3A_583 = arith.muli %add3A_580, %mul3A_582 : vector<16xi32>
      %add3A_584 = arith.addi %mul3A_583, %get3A_575 : vector<16xi32>
      %swap3A_585 = arith.index_cast %select_n3A : i32 to index
      %swap3A_586 = arith.index_cast %mul3A_572 : i32 to index
      %swap3A_587 = tpu.vector_load %arg6[%swap3A_585, %swap3A_586] {strides = array<i32>} : memref<20x128xi32, #tpu.memory_space<vmem>>, vector<16xi32>,
      tpu.vector_store %arg6[%swap3A_585, %swap3A_586], %add3A_584 {strides = array<i32>} : memref<20x128xi32, #tpu.memory_space<vmem>>, vector<16xi32>,
    }
    %scan3A_45 = arith.constant 160 : i32
    %mul3A_46 = arith.constant 1000 : i32
    %mul3A_47 = arith.muli %mul3A_2, %mul3A_46 : i32
    %add3A_48 = arith.constant 0 : i32
    %add3A_49 = arith.addi %mul3A_47, %add3A_48 : i32
    %dma_start3A = tpu.memref_slice %arg3[%add3A_49] : memref<81920000xf32, #tpu.memory_space<hbm>> -> memref<80000xf32, #tpu.memory_space<hbm>>
    %dma_start3A_50 = tpu.memref_slice %arg3[%add3A_49] : memref<81920000xf32, #tpu.memory_space<hbm>> -> memref<80000xf32, #tpu.memory_space<hbm>>
    tpu.enqueue_dma source(%arg4 : memref<80000xf32, #tpu.memory_space<vmem>>) target(%dma_start3A_50 : memref<80000xf32, #tpu.memory_space<hbm>>) target_semaphore(%arg8 : memref<!tpu.dma_semaphore, #tpu.memory_space<semaphore_mem>>)
    %mul3A_51 = arith.constant 1000 : i32
    %mul3A_52 = arith.muli %mul3A_2, %mul3A_51 : i32
    %add3A_53 = arith.constant 80000 : i32
    %add3A_54 = arith.addi %mul3A_52, %add3A_53 : i32
    %dma_start3A_55 = tpu.memref_slice %arg3[%add3A_54] : memref<81920000xf32, #tpu.memory_space<hbm>> -> memref<80000xf32, #tpu.memory_space<hbm>>
    %dma_start3A_56 = tpu.memref_slice %arg3[%add3A_54] : memref<81920000xf32, #tpu.memory_space<hbm>> -> memref<80000xf32, #tpu.memory_space<hbm>>
    tpu.enqueue_dma source(%arg4 : memref<80000xf32, #tpu.memory_space<vmem>>) target(%dma_start3A_56 : memref<80000xf32, #tpu.memory_space<hbm>>) target_semaphore(%arg8 : memref<!tpu.dma_semaphore, #tpu.memory_space<semaphore_mem>>)
    %mul3A_57 = arith.constant 1000 : i32
    %mul3A_58 = arith.muli %mul3A_2, %mul3A_57 : i32
    %add3A_59 = arith.constant 160000 : i32
    %add3A_60 = arith.addi %mul3A_58, %add3A_59 : i32
    %dma_start3A_61 = tpu.memref_slice %arg3[%add3A_60] : memref<81920000xf32, #tpu.memory_space<hbm>> -> memref<80000xf32, #tpu.memory_space<hbm>>
    %dma_start3A_62 = tpu.memref_slice %arg3[%add3A_60] : memref<81920000xf32, #tpu.memory_space<hbm>> -> memref<80000xf32, #tpu.memory_space<hbm>>
    tpu.enqueue_dma source(%arg4 : memref<80000xf32, #tpu.memory_space<vmem>>) target(%dma_start3A_62 : memref<80000xf32, #tpu.memory_space<hbm>>) target_semaphore(%arg8 : memref<!tpu.dma_semaphore, #tpu.memory_space<semaphore_mem>>)
    %mul3A_63 = arith.constant 1000 : i32
    %mul3A_64 = arith.muli %mul3A_2, %mul3A_63 : i32
    %add3A_65 = arith.constant 240000 : i32
    %add3A_66 = arith.addi %mul3A_64, %add3A_65 : i32
    %dma_start3A_67 = tpu.memref_slice %arg3[%add3A_66] : memref<81920000xf32, #tpu.memory_space<hbm>> -> memref<80000xf32, #tpu.memory_space<hbm>>
    %dma_start3A_68 = tpu.memref_slice %arg3[%add3A_66] : memref<81920000xf32, #tpu.memory_space<hbm>> -> memref<80000xf32, #tpu.memory_space<hbm>>
    tpu.enqueue_dma source(%arg4 : memref<80000xf32, #tpu.memory_space<vmem>>) target(%dma_start3A_68 : memref<80000xf32, #tpu.memory_space<hbm>>) target_semaphore(%arg8 : memref<!tpu.dma_semaphore, #tpu.memory_space<semaphore_mem>>)
    %mul3A_69 = arith.constant 1000 : i32
    %mul3A_70 = arith.muli %mul3A_2, %mul3A_69 : i32
    %add3A_71 = arith.constant 320000 : i32
    %add3A_72 = arith.addi %mul3A_70, %add3A_71 : i32
    %dma_start3A_73 = tpu.memref_slice %arg3[%add3A_72] : memref<81920000xf32, #tpu.memory_space<hbm>> -> memref<80000xf32, #tpu.memory_space<hbm>>
    %dma_start3A_74 = tpu.memref_slice %arg3[%add3A_72] : memref<81920000xf32, #tpu.memory_space<hbm>> -> memref<80000xf32, #tpu.memory_space<hbm>>
    tpu.enqueue_dma source(%arg4 : memref<80000xf32, #tpu.memory_space<vmem>>) target(%dma_start3A_74 : memref<80000xf32, #tpu.memory_space<hbm>>) target_semaphore(%arg8 : memref<!tpu.dma_semaphore, #tpu.memory_space<semaphore_mem>>)
    %mul3A_75 = arith.constant 1000 : i32
    %mul3A_76 = arith.muli %mul3A_2, %mul3A_75 : i32
    %add3A_77 = arith.constant 400000 : i32
    %add3A_78 = arith.addi %mul3A_76, %add3A_77 : i32
    %dma_start3A_79 = tpu.memref_slice %arg3[%add3A_78] : memref<81920000xf32, #tpu.memory_space<hbm>> -> memref<80000xf32, #tpu.memory_space<hbm>>
    %dma_start3A_80 = tpu.memref_slice %arg3[%add3A_78] : memref<81920000xf32, #tpu.memory_space<hbm>> -> memref<80000xf32, #tpu.memory_space<hbm>>
    tpu.enqueue_dma source(%arg4 : memref<80000xf32, #tpu.memory_space<vmem>>) target(%dma_start3A_80 : memref<80000xf32, #tpu.memory_space<hbm>>) target_semaphore(%arg8 : memref<!tpu.dma_semaphore, #tpu.memory_space<semaphore_mem>>)
    %mul3A_81 = arith.constant 1000 : i32
    %mul3A_82 = arith.muli %mul3A_2, %mul3A_81 : i32
    %add3A_83 = arith.constant 480000 : i32
    %add3A_84 = arith.addi %mul3A_82, %add3A_83 : i32
    %dma_start3A_85 = tpu.memref_slice %arg3[%add3A_84] : memref<81920000xf32, #tpu.memory_space<hbm>> -> memref<80000xf32, #tpu.memory_space<hbm>>
    %dma_start3A_86 = tpu.memref_slice %arg3[%add3A_84] : memref<81920000xf32, #tpu.memory_space<hbm>> -> memref<80000xf32, #tpu.memory_space<hbm>>
    tpu.enqueue_dma source(%arg4 : memref<80000xf32, #tpu.memory_space<vmem>>) target(%dma_start3A_86 : memref<80000xf32, #tpu.memory_space<hbm>>) target_semaphore(%arg8 : memref<!tpu.dma_semaphore, #tpu.memory_space<semaphore_mem>>)
    %mul3A_87 = arith.constant 1000 : i32
    %mul3A_88 = arith.muli %mul3A_2, %mul3A_87 : i32
    %add3A_89 = arith.constant 560000 : i32
    %add3A_90 = arith.addi %mul3A_88, %add3A_89 : i32
    %dma_start3A_91 = tpu.memref_slice %arg3[%add3A_90] : memref<81920000xf32, #tpu.memory_space<hbm>> -> memref<80000xf32, #tpu.memory_space<hbm>>
    %dma_start3A_92 = tpu.memref_slice %arg3[%add3A_90] : memref<81920000xf32, #tpu.memory_space<hbm>> -> memref<80000xf32, #tpu.memory_space<hbm>>
    tpu.enqueue_dma source(%arg4 : memref<80000xf32, #tpu.memory_space<vmem>>) target(%dma_start3A_92 : memref<80000xf32, #tpu.memory_space<hbm>>) target_semaphore(%arg8 : memref<!tpu.dma_semaphore, #tpu.memory_space<semaphore_mem>>)
    %mul3A_93 = arith.constant 1000 : i32
    %mul3A_94 = arith.muli %mul3A_2, %mul3A_93 : i32
    %add3A_95 = arith.constant 640000 : i32
    %add3A_96 = arith.addi %mul3A_94, %add3A_95 : i32
    %dma_start3A_97 = tpu.memref_slice %arg3[%add3A_96] : memref<81920000xf32, #tpu.memory_space<hbm>> -> memref<80000xf32, #tpu.memory_space<hbm>>
    %dma_start3A_98 = tpu.memref_slice %arg3[%add3A_96] : memref<81920000xf32, #tpu.memory_space<hbm>> -> memref<80000xf32, #tpu.memory_space<hbm>>
    tpu.enqueue_dma source(%arg4 : memref<80000xf32, #tpu.memory_space<vmem>>) target(%dma_start3A_98 : memref<80000xf32, #tpu.memory_space<hbm>>) target_semaphore(%arg8 : memref<!tpu.dma_semaphore, #tpu.memory_space<semaphore_mem>>)
    %mul3A_99 = arith.constant 1000 : i32
    %mul3A_100 = arith.muli %mul3A_2, %mul3A_99 : i32
    %add3A_101 = arith.constant 720000 : i32
    %add3A_102 = arith.addi %mul3A_100, %add3A_101 : i32
    %dma_start3A_103 = tpu.memref_slice %arg3[%add3A_102] : memref<81920000xf32, #tpu.memory_space<hbm>> -> memref<80000xf32, #tpu.memory_space<hbm>>
    %dma_start3A_104 = tpu.memref_slice %arg3[%add3A_102] : memref<81920000xf32, #tpu.memory_space<hbm>> -> memref<80000xf32, #tpu.memory_space<hbm>>
    tpu.enqueue_dma source(%arg4 : memref<80000xf32, #tpu.memory_space<vmem>>) target(%dma_start3A_104 : memref<80000xf32, #tpu.memory_space<hbm>>) target_semaphore(%arg8 : memref<!tpu.dma_semaphore, #tpu.memory_space<semaphore_mem>>)
    %mul3A_105 = arith.constant 1000 : i32
    %mul3A_106 = arith.muli %mul3A_2, %mul3A_105 : i32
    %add3A_107 = arith.constant 800000 : i32
    %add3A_108 = arith.addi %mul3A_106, %add3A_107 : i32
    %dma_start3A_109 = tpu.memref_slice %arg3[%add3A_108] : memref<81920000xf32, #tpu.memory_space<hbm>> -> memref<80000xf32, #tpu.memory_space<hbm>>
    %dma_start3A_110 = tpu.memref_slice %arg3[%add3A_108] : memref<81920000xf32, #tpu.memory_space<hbm>> -> memref<80000xf32, #tpu.memory_space<hbm>>
    tpu.enqueue_dma source(%arg4 : memref<80000xf32, #tpu.memory_space<vmem>>) target(%dma_start3A_110 : memref<80000xf32, #tpu.memory_space<hbm>>) target_semaphore(%arg8 : memref<!tpu.dma_semaphore, #tpu.memory_space<semaphore_mem>>)
    %mul3A_111 = arith.constant 1000 : i32
    %mul3A_112 = arith.muli %mul3A_2, %mul3A_111 : i32
    %add3A_113 = arith.constant 880000 : i32
    %add3A_114 = arith.addi %mul3A_112, %add3A_113 : i32
    %dma_start3A_115 = tpu.memref_slice %arg3[%add3A_114] : memref<81920000xf32, #tpu.memory_space<hbm>> -> memref<80000xf32, #tpu.memory_space<hbm>>
    %dma_start3A_116 = tpu.memref_slice %arg3[%add3A_114] : memref<81920000xf32, #tpu.memory_space<hbm>> -> memref<80000xf32, #tpu.memory_space<hbm>>
    tpu.enqueue_dma source(%arg4 : memref<80000xf32, #tpu.memory_space<vmem>>) target(%dma_start3A_116 : memref<80000xf32, #tpu.memory_space<hbm>>) target_semaphore(%arg8 : memref<!tpu.dma_semaphore, #tpu.memory_space<semaphore_mem>>)
    %mul3A_117 = arith.constant 1000 : i32
    %mul3A_118 = arith.muli %mul3A_2, %mul3A_117 : i32
    %add3A_119 = arith.constant 960000 : i32
    %add3A_120 = arith.addi %mul3A_118, %add3A_119 : i32
    %dma_start3A_121 = tpu.memref_slice %arg3[%add3A_120] : memref<81920000xf32, #tpu.memory_space<hbm>> -> memref<80000xf32, #tpu.memory_space<hbm>>
    %dma_start3A_122 = tpu.memref_slice %arg3[%add3A_120] : memref<81920000xf32, #tpu.memory_space<hbm>> -> memref<80000xf32, #tpu.memory_space<hbm>>
    tpu.enqueue_dma source(%arg4 : memref<80000xf32, #tpu.memory_space<vmem>>) target(%dma_start3A_122 : memref<80000xf32, #tpu.memory_space<hbm>>) target_semaphore(%arg8 : memref<!tpu.dma_semaphore, #tpu.memory_space<semaphore_mem>>)
    %mul3A_123 = arith.constant 1000 : i32
    %mul3A_124 = arith.muli %mul3A_2, %mul3A_123 : i32
    %add3A_125 = arith.constant 1040000 : i32
    %add3A_126 = arith.addi %mul3A_124, %add3A_125 : i32
    %dma_start3A_127 = tpu.memref_slice %arg3[%add3A_126] : memref<81920000xf32, #tpu.memory_space<hbm>> -> memref<80000xf32, #tpu.memory_space<hbm>>
    %dma_start3A_128 = tpu.memref_slice %arg3[%add3A_126] : memref<81920000xf32, #tpu.memory_space<hbm>> -> memref<80000xf32, #tpu.memory_space<hbm>>
    tpu.enqueue_dma source(%arg4 : memref<80000xf32, #tpu.memory_space<vmem>>) target(%dma_start3A_128 : memref<80000xf32, #tpu.memory_space<hbm>>) target_semaphore(%arg8 : memref<!tpu.dma_semaphore, #tpu.memory_space<semaphore_mem>>)
    %mul3A_129 = arith.constant 1000 : i32
    %mul3A_130 = arith.muli %mul3A_2, %mul3A_129 : i32
    %add3A_131 = arith.constant 1120000 : i32
    %add3A_132 = arith.addi %mul3A_130, %add3A_131 : i32
    %dma_start3A_133 = tpu.memref_slice %arg3[%add3A_132] : memref<81920000xf32, #tpu.memory_space<hbm>> -> memref<80000xf32, #tpu.memory_space<hbm>>
    %dma_start3A_134 = tpu.memref_slice %arg3[%add3A_132] : memref<81920000xf32, #tpu.memory_space<hbm>> -> memref<80000xf32, #tpu.memory_space<hbm>>
    tpu.enqueue_dma source(%arg4 : memref<80000xf32, #tpu.memory_space<vmem>>) target(%dma_start3A_134 : memref<80000xf32, #tpu.memory_space<hbm>>) target_semaphore(%arg8 : memref<!tpu.dma_semaphore, #tpu.memory_space<semaphore_mem>>)
    %mul3A_135 = arith.constant 1000 : i32
    %mul3A_136 = arith.muli %mul3A_2, %mul3A_135 : i32
    %add3A_137 = arith.constant 1200000 : i32
    %add3A_138 = arith.addi %mul3A_136, %add3A_137 : i32
    %dma_start3A_139 = tpu.memref_slice %arg3[%add3A_138] : memref<81920000xf32, #tpu.memory_space<hbm>> -> memref<80000xf32, #tpu.memory_space<hbm>>
    %dma_start3A_140 = tpu.memref_slice %arg3[%add3A_138] : memref<81920000xf32, #tpu.memory_space<hbm>> -> memref<80000xf32, #tpu.memory_space<hbm>>
    tpu.enqueue_dma source(%arg4 : memref<80000xf32, #tpu.memory_space<vmem>>) target(%dma_start3A_140 : memref<80000xf32, #tpu.memory_space<hbm>>) target_semaphore(%arg8 : memref<!tpu.dma_semaphore, #tpu.memory_space<semaphore_mem>>)
    %mul3A_141 = arith.constant 1000 : i32
    %mul3A_142 = arith.muli %mul3A_2, %mul3A_141 : i32
    %add3A_143 = arith.constant 1280000 : i32
    %add3A_144 = arith.addi %mul3A_142, %add3A_143 : i32
    %dma_start3A_145 = tpu.memref_slice %arg3[%add3A_144] : memref<81920000xf32, #tpu.memory_space<hbm>> -> memref<80000xf32, #tpu.memory_space<hbm>>
    %dma_start3A_146 = tpu.memref_slice %arg3[%add3A_144] : memref<81920000xf32, #tpu.memory_space<hbm>> -> memref<80000xf32, #tpu.memory_space<hbm>>
    tpu.enqueue_dma source(%arg4 : memref<80000xf32, #tpu.memory_space<vmem>>) target(%dma_start3A_146 : memref<80000xf32, #tpu.memory_space<hbm>>) target_semaphore(%arg8 : memref<!tpu.dma_semaphore, #tpu.memory_space<semaphore_mem>>)
    %mul3A_147 = arith.constant 1000 : i32
    %mul3A_148 = arith.muli %mul3A_2, %mul3A_147 : i32
    %add3A_149 = arith.constant 1360000 : i32
    %add3A_150 = arith.addi %mul3A_148, %add3A_149 : i32
    %dma_start3A_151 = tpu.memref_slice %arg3[%add3A_150] : memref<81920000xf32, #tpu.memory_space<hbm>> -> memref<80000xf32, #tpu.memory_space<hbm>>
    %dma_start3A_152 = tpu.memref_slice %arg3[%add3A_150] : memref<81920000xf32, #tpu.memory_space<hbm>> -> memref<80000xf32, #tpu.memory_space<hbm>>
    tpu.enqueue_dma source(%arg4 : memref<80000xf32, #tpu.memory_space<vmem>>) target(%dma_start3A_152 : memref<80000xf32, #tpu.memory_space<hbm>>) target_semaphore(%arg8 : memref<!tpu.dma_semaphore, #tpu.memory_space<semaphore_mem>>)
    %mul3A_153 = arith.constant 1000 : i32
    %mul3A_154 = arith.muli %mul3A_2, %mul3A_153 : i32
    %add3A_155 = arith.constant 1440000 : i32
    %add3A_156 = arith.addi %mul3A_154, %add3A_155 : i32
    %dma_start3A_157 = tpu.memref_slice %arg3[%add3A_156] : memref<81920000xf32, #tpu.memory_space<hbm>> -> memref<80000xf32, #tpu.memory_space<hbm>>
    %dma_start3A_158 = tpu.memref_slice %arg3[%add3A_156] : memref<81920000xf32, #tpu.memory_space<hbm>> -> memref<80000xf32, #tpu.memory_space<hbm>>
    tpu.enqueue_dma source(%arg4 : memref<80000xf32, #tpu.memory_space<vmem>>) target(%dma_start3A_158 : memref<80000xf32, #tpu.memory_space<hbm>>) target_semaphore(%arg8 : memref<!tpu.dma_semaphore, #tpu.memory_space<semaphore_mem>>)
    %mul3A_159 = arith.constant 1000 : i32
    %mul3A_160 = arith.muli %mul3A_2, %mul3A_159 : i32
    %add3A_161 = arith.constant 1520000 : i32
    %add3A_162 = arith.addi %mul3A_160, %add3A_161 : i32
    %dma_start3A_163 = tpu.memref_slice %arg3[%add3A_162] : memref<81920000xf32, #tpu.memory_space<hbm>> -> memref<80000xf32, #tpu.memory_space<hbm>>
    %dma_start3A_164 = tpu.memref_slice %arg3[%add3A_162] : memref<81920000xf32, #tpu.memory_space<hbm>> -> memref<80000xf32, #tpu.memory_space<hbm>>
    tpu.enqueue_dma source(%arg4 : memref<80000xf32, #tpu.memory_space<vmem>>) target(%dma_start3A_164 : memref<80000xf32, #tpu.memory_space<hbm>>) target_semaphore(%arg8 : memref<!tpu.dma_semaphore, #tpu.memory_space<semaphore_mem>>)
    %mul3A_165 = arith.constant 1000 : i32
    %mul3A_166 = arith.muli %mul3A_2, %mul3A_165 : i32
    %add3A_167 = arith.constant 1600000 : i32
    %add3A_168 = arith.addi %mul3A_166, %add3A_167 : i32
    %dma_start3A_169 = tpu.memref_slice %arg3[%add3A_168] : memref<81920000xf32, #tpu.memory_space<hbm>> -> memref<80000xf32, #tpu.memory_space<hbm>>
    %dma_start3A_170 = tpu.memref_slice %arg3[%add3A_168] : memref<81920000xf32, #tpu.memory_space<hbm>> -> memref<80000xf32, #tpu.memory_space<hbm>>
    tpu.enqueue_dma source(%arg4 : memref<80000xf32, #tpu.memory_space<vmem>>) target(%dma_start3A_170 : memref<80000xf32, #tpu.memory_space<hbm>>) target_semaphore(%arg8 : memref<!tpu.dma_semaphore, #tpu.memory_space<semaphore_mem>>)
    %mul3A_171 = arith.constant 1000 : i32
    %mul3A_172 = arith.muli %mul3A_2, %mul3A_171 : i32
    %add3A_173 = arith.constant 1680000 : i32
    %add3A_174 = arith.addi %mul3A_172, %add3A_173 : i32
    %dma_start3A_175 = tpu.memref_slice %arg3[%add3A_174] : memref<81920000xf32, #tpu.memory_space<hbm>> -> memref<80000xf32, #tpu.memory_space<hbm>>
    %dma_start3A_176 = tpu.memref_slice %arg3[%add3A_174] : memref<81920000xf32, #tpu.memory_space<hbm>> -> memref<80000xf32, #tpu.memory_space<hbm>>
    tpu.enqueue_dma source(%arg4 : memref<80000xf32, #tpu.memory_space<vmem>>) target(%dma_start3A_176 : memref<80000xf32, #tpu.memory_space<hbm>>) target_semaphore(%arg8 : memref<!tpu.dma_semaphore, #tpu.memory_space<semaphore_mem>>)
    %mul3A_177 = arith.constant 1000 : i32
    %mul3A_178 = arith.muli %mul3A_2, %mul3A_177 : i32
    %add3A_179 = arith.constant 1760000 : i32
    %add3A_180 = arith.addi %mul3A_178, %add3A_179 : i32
    %dma_start3A_181 = tpu.memref_slice %arg3[%add3A_180] : memref<81920000xf32, #tpu.memory_space<hbm>> -> memref<80000xf32, #tpu.memory_space<hbm>>
    %dma_start3A_182 = tpu.memref_slice %arg3[%add3A_180] : memref<81920000xf32, #tpu.memory_space<hbm>> -> memref<80000xf32, #tpu.memory_space<hbm>>
    tpu.enqueue_dma source(%arg4 : memref<80000xf32, #tpu.memory_space<vmem>>) target(%dma_start3A_182 : memref<80000xf32, #tpu.memory_space<hbm>>) target_semaphore(%arg8 : memref<!tpu.dma_semaphore, #tpu.memory_space<semaphore_mem>>)
    %mul3A_183 = arith.constant 1000 : i32
    %mul3A_184 = arith.muli %mul3A_2, %mul3A_183 : i32
    %add3A_185 = arith.constant 1840000 : i32
    %add3A_186 = arith.addi %mul3A_184, %add3A_185 : i32
    %dma_start3A_187 = tpu.memref_slice %arg3[%add3A_186] : memref<81920000xf32, #tpu.memory_space<hbm>> -> memref<80000xf32, #tpu.memory_space<hbm>>
    %dma_start3A_188 = tpu.memref_slice %arg3[%add3A_186] : memref<81920000xf32, #tpu.memory_space<hbm>> -> memref<80000xf32, #tpu.memory_space<hbm>>
    tpu.enqueue_dma source(%arg4 : memref<80000xf32, #tpu.memory_space<vmem>>) target(%dma_start3A_188 : memref<80000xf32, #tpu.memory_space<hbm>>) target_semaphore(%arg8 : memref<!tpu.dma_semaphore, #tpu.memory_space<semaphore_mem>>)
    %mul3A_189 = arith.constant 1000 : i32
    %mul3A_190 = arith.muli %mul3A_2, %mul3A_189 : i32
    %add3A_191 = arith.constant 1920000 : i32
    %add3A_192 = arith.addi %mul3A_190, %add3A_191 : i32
    %dma_start3A_193 = tpu.memref_slice %arg3[%add3A_192] : memref<81920000xf32, #tpu.memory_space<hbm>> -> memref<80000xf32, #tpu.memory_space<hbm>>
    %dma_start3A_194 = tpu.memref_slice %arg3[%add3A_192] : memref<81920000xf32, #tpu.memory_space<hbm>> -> memref<80000xf32, #tpu.memory_space<hbm>>
    tpu.enqueue_dma source(%arg4 : memref<80000xf32, #tpu.memory_space<vmem>>) target(%dma_start3A_194 : memref<80000xf32, #tpu.memory_space<hbm>>) target_semaphore(%arg8 : memref<!tpu.dma_semaphore, #tpu.memory_space<semaphore_mem>>)
    %mul3A_195 = arith.constant 1000 : i32
    %mul3A_196 = arith.muli %mul3A_2, %mul3A_195 : i32
    %add3A_197 = arith.constant 2000000 : i32
    %add3A_198 = arith.addi %mul3A_196, %add3A_197 : i32
    %dma_start3A_199 = tpu.memref_slice %arg3[%add3A_198] : memref<81920000xf32, #tpu.memory_space<hbm>> -> memref<80000xf32, #tpu.memory_space<hbm>>
    %dma_start3A_200 = tpu.memref_slice %arg3[%add3A_198] : memref<81920000xf32, #tpu.memory_space<hbm>> -> memref<80000xf32, #tpu.memory_space<hbm>>
    tpu.enqueue_dma source(%arg4 : memref<80000xf32, #tpu.memory_space<vmem>>) target(%dma_start3A_200 : memref<80000xf32, #tpu.memory_space<hbm>>) target_semaphore(%arg8 : memref<!tpu.dma_semaphore, #tpu.memory_space<semaphore_mem>>)
    %mul3A_201 = arith.constant 1000 : i32
    %mul3A_202 = arith.muli %mul3A_2, %mul3A_201 : i32
    %add3A_203 = arith.constant 2080000 : i32
    %add3A_204 = arith.addi %mul3A_202, %add3A_203 : i32
    %dma_start3A_205 = tpu.memref_slice %arg3[%add3A_204] : memref<81920000xf32, #tpu.memory_space<hbm>> -> memref<80000xf32, #tpu.memory_space<hbm>>
    %dma_start3A_206 = tpu.memref_slice %arg3[%add3A_204] : memref<81920000xf32, #tpu.memory_space<hbm>> -> memref<80000xf32, #tpu.memory_space<hbm>>
    tpu.enqueue_dma source(%arg4 : memref<80000xf32, #tpu.memory_space<vmem>>) target(%dma_start3A_206 : memref<80000xf32, #tpu.memory_space<hbm>>) target_semaphore(%arg8 : memref<!tpu.dma_semaphore, #tpu.memory_space<semaphore_mem>>)
    %mul3A_207 = arith.constant 1000 : i32
    %mul3A_208 = arith.muli %mul3A_2, %mul3A_207 : i32
    %add3A_209 = arith.constant 2160000 : i32
    %add3A_210 = arith.addi %mul3A_208, %add3A_209 : i32
    %dma_start3A_211 = tpu.memref_slice %arg3[%add3A_210] : memref<81920000xf32, #tpu.memory_space<hbm>> -> memref<80000xf32, #tpu.memory_space<hbm>>
    %dma_start3A_212 = tpu.memref_slice %arg3[%add3A_210] : memref<81920000xf32, #tpu.memory_space<hbm>> -> memref<80000xf32, #tpu.memory_space<hbm>>
    tpu.enqueue_dma source(%arg4 : memref<80000xf32, #tpu.memory_space<vmem>>) target(%dma_start3A_212 : memref<80000xf32, #tpu.memory_space<hbm>>) target_semaphore(%arg8 : memref<!tpu.dma_semaphore, #tpu.memory_space<semaphore_mem>>)
    %mul3A_213 = arith.constant 1000 : i32
    %mul3A_214 = arith.muli %mul3A_2, %mul3A_213 : i32
    %add3A_215 = arith.constant 2240000 : i32
    %add3A_216 = arith.addi %mul3A_214, %add3A_215 : i32
    %dma_start3A_217 = tpu.memref_slice %arg3[%add3A_216] : memref<81920000xf32, #tpu.memory_space<hbm>> -> memref<80000xf32, #tpu.memory_space<hbm>>
    %dma_start3A_218 = tpu.memref_slice %arg3[%add3A_216] : memref<81920000xf32, #tpu.memory_space<hbm>> -> memref<80000xf32, #tpu.memory_space<hbm>>
    tpu.enqueue_dma source(%arg4 : memref<80000xf32, #tpu.memory_space<vmem>>) target(%dma_start3A_218 : memref<80000xf32, #tpu.memory_space<hbm>>) target_semaphore(%arg8 : memref<!tpu.dma_semaphore, #tpu.memory_space<semaphore_mem>>)
    %mul3A_219 = arith.constant 1000 : i32
    %mul3A_220 = arith.muli %mul3A_2, %mul3A_219 : i32
    %add3A_221 = arith.constant 2320000 : i32
    %add3A_222 = arith.addi %mul3A_220, %add3A_221 : i32
    %dma_start3A_223 = tpu.memref_slice %arg3[%add3A_222] : memref<81920000xf32, #tpu.memory_space<hbm>> -> memref<80000xf32, #tpu.memory_space<hbm>>
    %dma_start3A_224 = tpu.memref_slice %arg3[%add3A_222] : memref<81920000xf32, #tpu.memory_space<hbm>> -> memref<80000xf32, #tpu.memory_space<hbm>>
    tpu.enqueue_dma source(%arg4 : memref<80000xf32, #tpu.memory_space<vmem>>) target(%dma_start3A_224 : memref<80000xf32, #tpu.memory_space<hbm>>) target_semaphore(%arg8 : memref<!tpu.dma_semaphore, #tpu.memory_space<semaphore_mem>>)
    %mul3A_225 = arith.constant 1000 : i32
    %mul3A_226 = arith.muli %mul3A_2, %mul3A_225 : i32
    %add3A_227 = arith.constant 2400000 : i32
    %add3A_228 = arith.addi %mul3A_226, %add3A_227 : i32
    %dma_start3A_229 = tpu.memref_slice %arg3[%add3A_228] : memref<81920000xf32, #tpu.memory_space<hbm>> -> memref<80000xf32, #tpu.memory_space<hbm>>
    %dma_start3A_230 = tpu.memref_slice %arg3[%add3A_228] : memref<81920000xf32, #tpu.memory_space<hbm>> -> memref<80000xf32, #tpu.memory_space<hbm>>
    tpu.enqueue_dma source(%arg4 : memref<80000xf32, #tpu.memory_space<vmem>>) target(%dma_start3A_230 : memref<80000xf32, #tpu.memory_space<hbm>>) target_semaphore(%arg8 : memref<!tpu.dma_semaphore, #tpu.memory_space<semaphore_mem>>)
    %mul3A_231 = arith.constant 1000 : i32
    %mul3A_232 = arith.muli %mul3A_2, %mul3A_231 : i32
    %add3A_233 = arith.constant 2480000 : i32
    %add3A_234 = arith.addi %mul3A_232, %add3A_233 : i32
    %dma_start3A_235 = tpu.memref_slice %arg3[%add3A_234] : memref<81920000xf32, #tpu.memory_space<hbm>> -> memref<80000xf32, #tpu.memory_space<hbm>>
    %dma_start3A_236 = tpu.memref_slice %arg3[%add3A_234] : memref<81920000xf32, #tpu.memory_space<hbm>> -> memref<80000xf32, #tpu.memory_space<hbm>>
    tpu.enqueue_dma source(%arg4 : memref<80000xf32, #tpu.memory_space<vmem>>) target(%dma_start3A_236 : memref<80000xf32, #tpu.memory_space<hbm>>) target_semaphore(%arg8 : memref<!tpu.dma_semaphore, #tpu.memory_space<semaphore_mem>>)
    %dma_wait3A = tpu.memref_slice %arg3[%add3A_49] : memref<81920000xf32, #tpu.memory_space<hbm>> -> memref<80000xf32, #tpu.memory_space<hbm>>
    %dma_wait3A_237 = tpu.memref_slice %arg3[%add3A_49] : memref<81920000xf32, #tpu.memory_space<hbm>> -> memref<80000xf32, #tpu.memory_space<hbm>>
    tpu.wait_dma2 semaphore(%arg8 : memref<!tpu.dma_semaphore, #tpu.memory_space<semaphore_mem>>) src(%arg4 : memref<80000xf32, #tpu.memory_space<vmem>>) dst(%dma_wait3A_237 : memref<80000xf32, #tpu.memory_space<hbm>>)
    %dma_wait3A_238 = tpu.memref_slice %arg3[%add3A_54] : memref<81920000xf32, #tpu.memory_space<hbm>> -> memref<80000xf32, #tpu.memory_space<hbm>>
    %dma_wait3A_239 = tpu.memref_slice %arg3[%add3A_54] : memref<81920000xf32, #tpu.memory_space<hbm>> -> memref<80000xf32, #tpu.memory_space<hbm>>
    tpu.wait_dma2 semaphore(%arg8 : memref<!tpu.dma_semaphore, #tpu.memory_space<semaphore_mem>>) src(%arg4 : memref<80000xf32, #tpu.memory_space<vmem>>) dst(%dma_wait3A_239 : memref<80000xf32, #tpu.memory_space<hbm>>)
    %dma_wait3A_240 = tpu.memref_slice %arg3[%add3A_60] : memref<81920000xf32, #tpu.memory_space<hbm>> -> memref<80000xf32, #tpu.memory_space<hbm>>
    %dma_wait3A_241 = tpu.memref_slice %arg3[%add3A_60] : memref<81920000xf32, #tpu.memory_space<hbm>> -> memref<80000xf32, #tpu.memory_space<hbm>>
    tpu.wait_dma2 semaphore(%arg8 : memref<!tpu.dma_semaphore, #tpu.memory_space<semaphore_mem>>) src(%arg4 : memref<80000xf32, #tpu.memory_space<vmem>>) dst(%dma_wait3A_241 : memref<80000xf32, #tpu.memory_space<hbm>>)
    %dma_wait3A_242 = tpu.memref_slice %arg3[%add3A_66] : memref<81920000xf32, #tpu.memory_space<hbm>> -> memref<80000xf32, #tpu.memory_space<hbm>>
    %dma_wait3A_243 = tpu.memref_slice %arg3[%add3A_66] : memref<81920000xf32, #tpu.memory_space<hbm>> -> memref<80000xf32, #tpu.memory_space<hbm>>
    tpu.wait_dma2 semaphore(%arg8 : memref<!tpu.dma_semaphore, #tpu.memory_space<semaphore_mem>>) src(%arg4 : memref<80000xf32, #tpu.memory_space<vmem>>) dst(%dma_wait3A_243 : memref<80000xf32, #tpu.memory_space<hbm>>)
    %dma_wait3A_244 = tpu.memref_slice %arg3[%add3A_72] : memref<81920000xf32, #tpu.memory_space<hbm>> -> memref<80000xf32, #tpu.memory_space<hbm>>
    %dma_wait3A_245 = tpu.memref_slice %arg3[%add3A_72] : memref<81920000xf32, #tpu.memory_space<hbm>> -> memref<80000xf32, #tpu.memory_space<hbm>>
    tpu.wait_dma2 semaphore(%arg8 : memref<!tpu.dma_semaphore, #tpu.memory_space<semaphore_mem>>) src(%arg4 : memref<80000xf32, #tpu.memory_space<vmem>>) dst(%dma_wait3A_245 : memref<80000xf32, #tpu.memory_space<hbm>>)
    %dma_wait3A_246 = tpu.memref_slice %arg3[%add3A_78] : memref<81920000xf32, #tpu.memory_space<hbm>> -> memref<80000xf32, #tpu.memory_space<hbm>>
    %dma_wait3A_247 = tpu.memref_slice %arg3[%add3A_78] : memref<81920000xf32, #tpu.memory_space<hbm>> -> memref<80000xf32, #tpu.memory_space<hbm>>
    tpu.wait_dma2 semaphore(%arg8 : memref<!tpu.dma_semaphore, #tpu.memory_space<semaphore_mem>>) src(%arg4 : memref<80000xf32, #tpu.memory_space<vmem>>) dst(%dma_wait3A_247 : memref<80000xf32, #tpu.memory_space<hbm>>)
    %dma_wait3A_248 = tpu.memref_slice %arg3[%add3A_84] : memref<81920000xf32, #tpu.memory_space<hbm>> -> memref<80000xf32, #tpu.memory_space<hbm>>
    %dma_wait3A_249 = tpu.memref_slice %arg3[%add3A_84] : memref<81920000xf32, #tpu.memory_space<hbm>> -> memref<80000xf32, #tpu.memory_space<hbm>>
    tpu.wait_dma2 semaphore(%arg8 : memref<!tpu.dma_semaphore, #tpu.memory_space<semaphore_mem>>) src(%arg4 : memref<80000xf32, #tpu.memory_space<vmem>>) dst(%dma_wait3A_249 : memref<80000xf32, #tpu.memory_space<hbm>>)
    %dma_wait3A_250 = tpu.memref_slice %arg3[%add3A_90] : memref<81920000xf32, #tpu.memory_space<hbm>> -> memref<80000xf32, #tpu.memory_space<hbm>>
    %dma_wait3A_251 = tpu.memref_slice %arg3[%add3A_90] : memref<81920000xf32, #tpu.memory_space<hbm>> -> memref<80000xf32, #tpu.memory_space<hbm>>
    tpu.wait_dma2 semaphore(%arg8 : memref<!tpu.dma_semaphore, #tpu.memory_space<semaphore_mem>>) src(%arg4 : memref<80000xf32, #tpu.memory_space<vmem>>) dst(%dma_wait3A_251 : memref<80000xf32, #tpu.memory_space<hbm>>)
    %dma_wait3A_252 = tpu.memref_slice %arg3[%add3A_96] : memref<81920000xf32, #tpu.memory_space<hbm>> -> memref<80000xf32, #tpu.memory_space<hbm>>
    %dma_wait3A_253 = tpu.memref_slice %arg3[%add3A_96] : memref<81920000xf32, #tpu.memory_space<hbm>> -> memref<80000xf32, #tpu.memory_space<hbm>>
    tpu.wait_dma2 semaphore(%arg8 : memref<!tpu.dma_semaphore, #tpu.memory_space<semaphore_mem>>) src(%arg4 : memref<80000xf32, #tpu.memory_space<vmem>>) dst(%dma_wait3A_253 : memref<80000xf32, #tpu.memory_space<hbm>>)
    %dma_wait3A_254 = tpu.memref_slice %arg3[%add3A_102] : memref<81920000xf32, #tpu.memory_space<hbm>> -> memref<80000xf32, #tpu.memory_space<hbm>>
    %dma_wait3A_255 = tpu.memref_slice %arg3[%add3A_102] : memref<81920000xf32, #tpu.memory_space<hbm>> -> memref<80000xf32, #tpu.memory_space<hbm>>
    tpu.wait_dma2 semaphore(%arg8 : memref<!tpu.dma_semaphore, #tpu.memory_space<semaphore_mem>>) src(%arg4 : memref<80000xf32, #tpu.memory_space<vmem>>) dst(%dma_wait3A_255 : memref<80000xf32, #tpu.memory_space<hbm>>)
    %dma_wait3A_256 = tpu.memref_slice %arg3[%add3A_108] : memref<81920000xf32, #tpu.memory_space<hbm>> -> memref<80000xf32, #tpu.memory_space<hbm>>
    %dma_wait3A_257 = tpu.memref_slice %arg3[%add3A_108] : memref<81920000xf32, #tpu.memory_space<hbm>> -> memref<80000xf32, #tpu.memory_space<hbm>>
    tpu.wait_dma2 semaphore(%arg8 : memref<!tpu.dma_semaphore, #tpu.memory_space<semaphore_mem>>) src(%arg4 : memref<80000xf32, #tpu.memory_space<vmem>>) dst(%dma_wait3A_257 : memref<80000xf32, #tpu.memory_space<hbm>>)
    %dma_wait3A_258 = tpu.memref_slice %arg3[%add3A_114] : memref<81920000xf32, #tpu.memory_space<hbm>> -> memref<80000xf32, #tpu.memory_space<hbm>>
    %dma_wait3A_259 = tpu.memref_slice %arg3[%add3A_114] : memref<81920000xf32, #tpu.memory_space<hbm>> -> memref<80000xf32, #tpu.memory_space<hbm>>
    tpu.wait_dma2 semaphore(%arg8 : memref<!tpu.dma_semaphore, #tpu.memory_space<semaphore_mem>>) src(%arg4 : memref<80000xf32, #tpu.memory_space<vmem>>) dst(%dma_wait3A_259 : memref<80000xf32, #tpu.memory_space<hbm>>)
    %dma_wait3A_260 = tpu.memref_slice %arg3[%add3A_120] : memref<81920000xf32, #tpu.memory_space<hbm>> -> memref<80000xf32, #tpu.memory_space<hbm>>
    %dma_wait3A_261 = tpu.memref_slice %arg3[%add3A_120] : memref<81920000xf32, #tpu.memory_space<hbm>> -> memref<80000xf32, #tpu.memory_space<hbm>>
    tpu.wait_dma2 semaphore(%arg8 : memref<!tpu.dma_semaphore, #tpu.memory_space<semaphore_mem>>) src(%arg4 : memref<80000xf32, #tpu.memory_space<vmem>>) dst(%dma_wait3A_261 : memref<80000xf32, #tpu.memory_space<hbm>>)
    %dma_wait3A_262 = tpu.memref_slice %arg3[%add3A_126] : memref<81920000xf32, #tpu.memory_space<hbm>> -> memref<80000xf32, #tpu.memory_space<hbm>>
    %dma_wait3A_263 = tpu.memref_slice %arg3[%add3A_126] : memref<81920000xf32, #tpu.memory_space<hbm>> -> memref<80000xf32, #tpu.memory_space<hbm>>
    tpu.wait_dma2 semaphore(%arg8 : memref<!tpu.dma_semaphore, #tpu.memory_space<semaphore_mem>>) src(%arg4 : memref<80000xf32, #tpu.memory_space<vmem>>) dst(%dma_wait3A_263 : memref<80000xf32, #tpu.memory_space<hbm>>)
    %dma_wait3A_264 = tpu.memref_slice %arg3[%add3A_132] : memref<81920000xf32, #tpu.memory_space<hbm>> -> memref<80000xf32, #tpu.memory_space<hbm>>
    %dma_wait3A_265 = tpu.memref_slice %arg3[%add3A_132] : memref<81920000xf32, #tpu.memory_space<hbm>> -> memref<80000xf32, #tpu.memory_space<hbm>>
    tpu.wait_dma2 semaphore(%arg8 : memref<!tpu.dma_semaphore, #tpu.memory_space<semaphore_mem>>) src(%arg4 : memref<80000xf32, #tpu.memory_space<vmem>>) dst(%dma_wait3A_265 : memref<80000xf32, #tpu.memory_space<hbm>>)
    %dma_wait3A_266 = tpu.memref_slice %arg3[%add3A_138] : memref<81920000xf32, #tpu.memory_space<hbm>> -> memref<80000xf32, #tpu.memory_space<hbm>>
    %dma_wait3A_267 = tpu.memref_slice %arg3[%add3A_138] : memref<81920000xf32, #tpu.memory_space<hbm>> -> memref<80000xf32, #tpu.memory_space<hbm>>
    tpu.wait_dma2 semaphore(%arg8 : memref<!tpu.dma_semaphore, #tpu.memory_space<semaphore_mem>>) src(%arg4 : memref<80000xf32, #tpu.memory_space<vmem>>) dst(%dma_wait3A_267 : memref<80000xf32, #tpu.memory_space<hbm>>)
    %dma_wait3A_268 = tpu.memref_slice %arg3[%add3A_144] : memref<81920000xf32, #tpu.memory_space<hbm>> -> memref<80000xf32, #tpu.memory_space<hbm>>
    %dma_wait3A_269 = tpu.memref_slice %arg3[%add3A_144] : memref<81920000xf32, #tpu.memory_space<hbm>> -> memref<80000xf32, #tpu.memory_space<hbm>>
    tpu.wait_dma2 semaphore(%arg8 : memref<!tpu.dma_semaphore, #tpu.memory_space<semaphore_mem>>) src(%arg4 : memref<80000xf32, #tpu.memory_space<vmem>>) dst(%dma_wait3A_269 : memref<80000xf32, #tpu.memory_space<hbm>>)
    %dma_wait3A_270 = tpu.memref_slice %arg3[%add3A_150] : memref<81920000xf32, #tpu.memory_space<hbm>> -> memref<80000xf32, #tpu.memory_space<hbm>>
    %dma_wait3A_271 = tpu.memref_slice %arg3[%add3A_150] : memref<81920000xf32, #tpu.memory_space<hbm>> -> memref<80000xf32, #tpu.memory_space<hbm>>
    tpu.wait_dma2 semaphore(%arg8 : memref<!tpu.dma_semaphore, #tpu.memory_space<semaphore_mem>>) src(%arg4 : memref<80000xf32, #tpu.memory_space<vmem>>) dst(%dma_wait3A_271 : memref<80000xf32, #tpu.memory_space<hbm>>)
    %dma_wait3A_272 = tpu.memref_slice %arg3[%add3A_156] : memref<81920000xf32, #tpu.memory_space<hbm>> -> memref<80000xf32, #tpu.memory_space<hbm>>
    %dma_wait3A_273 = tpu.memref_slice %arg3[%add3A_156] : memref<81920000xf32, #tpu.memory_space<hbm>> -> memref<80000xf32, #tpu.memory_space<hbm>>
    tpu.wait_dma2 semaphore(%arg8 : memref<!tpu.dma_semaphore, #tpu.memory_space<semaphore_mem>>) src(%arg4 : memref<80000xf32, #tpu.memory_space<vmem>>) dst(%dma_wait3A_273 : memref<80000xf32, #tpu.memory_space<hbm>>)
    %dma_wait3A_274 = tpu.memref_slice %arg3[%add3A_162] : memref<81920000xf32, #tpu.memory_space<hbm>> -> memref<80000xf32, #tpu.memory_space<hbm>>
    %dma_wait3A_275 = tpu.memref_slice %arg3[%add3A_162] : memref<81920000xf32, #tpu.memory_space<hbm>> -> memref<80000xf32, #tpu.memory_space<hbm>>
    tpu.wait_dma2 semaphore(%arg8 : memref<!tpu.dma_semaphore, #tpu.memory_space<semaphore_mem>>) src(%arg4 : memref<80000xf32, #tpu.memory_space<vmem>>) dst(%dma_wait3A_275 : memref<80000xf32, #tpu.memory_space<hbm>>)
    %dma_wait3A_276 = tpu.memref_slice %arg3[%add3A_168] : memref<81920000xf32, #tpu.memory_space<hbm>> -> memref<80000xf32, #tpu.memory_space<hbm>>
    %dma_wait3A_277 = tpu.memref_slice %arg3[%add3A_168] : memref<81920000xf32, #tpu.memory_space<hbm>> -> memref<80000xf32, #tpu.memory_space<hbm>>
    tpu.wait_dma2 semaphore(%arg8 : memref<!tpu.dma_semaphore, #tpu.memory_space<semaphore_mem>>) src(%arg4 : memref<80000xf32, #tpu.memory_space<vmem>>) dst(%dma_wait3A_277 : memref<80000xf32, #tpu.memory_space<hbm>>)
    %dma_wait3A_278 = tpu.memref_slice %arg3[%add3A_174] : memref<81920000xf32, #tpu.memory_space<hbm>> -> memref<80000xf32, #tpu.memory_space<hbm>>
    %dma_wait3A_279 = tpu.memref_slice %arg3[%add3A_174] : memref<81920000xf32, #tpu.memory_space<hbm>> -> memref<80000xf32, #tpu.memory_space<hbm>>
    tpu.wait_dma2 semaphore(%arg8 : memref<!tpu.dma_semaphore, #tpu.memory_space<semaphore_mem>>) src(%arg4 : memref<80000xf32, #tpu.memory_space<vmem>>) dst(%dma_wait3A_279 : memref<80000xf32, #tpu.memory_space<hbm>>)
    %dma_wait3A_280 = tpu.memref_slice %arg3[%add3A_180] : memref<81920000xf32, #tpu.memory_space<hbm>> -> memref<80000xf32, #tpu.memory_space<hbm>>
    %dma_wait3A_281 = tpu.memref_slice %arg3[%add3A_180] : memref<81920000xf32, #tpu.memory_space<hbm>> -> memref<80000xf32, #tpu.memory_space<hbm>>
    tpu.wait_dma2 semaphore(%arg8 : memref<!tpu.dma_semaphore, #tpu.memory_space<semaphore_mem>>) src(%arg4 : memref<80000xf32, #tpu.memory_space<vmem>>) dst(%dma_wait3A_281 : memref<80000xf32, #tpu.memory_space<hbm>>)
    %dma_wait3A_282 = tpu.memref_slice %arg3[%add3A_186] : memref<81920000xf32, #tpu.memory_space<hbm>> -> memref<80000xf32, #tpu.memory_space<hbm>>
    %dma_wait3A_283 = tpu.memref_slice %arg3[%add3A_186] : memref<81920000xf32, #tpu.memory_space<hbm>> -> memref<80000xf32, #tpu.memory_space<hbm>>
    tpu.wait_dma2 semaphore(%arg8 : memref<!tpu.dma_semaphore, #tpu.memory_space<semaphore_mem>>) src(%arg4 : memref<80000xf32, #tpu.memory_space<vmem>>) dst(%dma_wait3A_283 : memref<80000xf32, #tpu.memory_space<hbm>>)
    %dma_wait3A_284 = tpu.memref_slice %arg3[%add3A_192] : memref<81920000xf32, #tpu.memory_space<hbm>> -> memref<80000xf32, #tpu.memory_space<hbm>>
    %dma_wait3A_285 = tpu.memref_slice %arg3[%add3A_192] : memref<81920000xf32, #tpu.memory_space<hbm>> -> memref<80000xf32, #tpu.memory_space<hbm>>
    tpu.wait_dma2 semaphore(%arg8 : memref<!tpu.dma_semaphore, #tpu.memory_space<semaphore_mem>>) src(%arg4 : memref<80000xf32, #tpu.memory_space<vmem>>) dst(%dma_wait3A_285 : memref<80000xf32, #tpu.memory_space<hbm>>)
    %dma_wait3A_286 = tpu.memref_slice %arg3[%add3A_198] : memref<81920000xf32, #tpu.memory_space<hbm>> -> memref<80000xf32, #tpu.memory_space<hbm>>
    %dma_wait3A_287 = tpu.memref_slice %arg3[%add3A_198] : memref<81920000xf32, #tpu.memory_space<hbm>> -> memref<80000xf32, #tpu.memory_space<hbm>>
    tpu.wait_dma2 semaphore(%arg8 : memref<!tpu.dma_semaphore, #tpu.memory_space<semaphore_mem>>) src(%arg4 : memref<80000xf32, #tpu.memory_space<vmem>>) dst(%dma_wait3A_287 : memref<80000xf32, #tpu.memory_space<hbm>>)
    %dma_wait3A_288 = tpu.memref_slice %arg3[%add3A_204] : memref<81920000xf32, #tpu.memory_space<hbm>> -> memref<80000xf32, #tpu.memory_space<hbm>>
    %dma_wait3A_289 = tpu.memref_slice %arg3[%add3A_204] : memref<81920000xf32, #tpu.memory_space<hbm>> -> memref<80000xf32, #tpu.memory_space<hbm>>
    tpu.wait_dma2 semaphore(%arg8 : memref<!tpu.dma_semaphore, #tpu.memory_space<semaphore_mem>>) src(%arg4 : memref<80000xf32, #tpu.memory_space<vmem>>) dst(%dma_wait3A_289 : memref<80000xf32, #tpu.memory_space<hbm>>)
    %dma_wait3A_290 = tpu.memref_slice %arg3[%add3A_210] : memref<81920000xf32, #tpu.memory_space<hbm>> -> memref<80000xf32, #tpu.memory_space<hbm>>
    %dma_wait3A_291 = tpu.memref_slice %arg3[%add3A_210] : memref<81920000xf32, #tpu.memory_space<hbm>> -> memref<80000xf32, #tpu.memory_space<hbm>>
    tpu.wait_dma2 semaphore(%arg8 : memref<!tpu.dma_semaphore, #tpu.memory_space<semaphore_mem>>) src(%arg4 : memref<80000xf32, #tpu.memory_space<vmem>>) dst(%dma_wait3A_291 : memref<80000xf32, #tpu.memory_space<hbm>>)
    %dma_wait3A_292 = tpu.memref_slice %arg3[%add3A_216] : memref<81920000xf32, #tpu.memory_space<hbm>> -> memref<80000xf32, #tpu.memory_space<hbm>>
    %dma_wait3A_293 = tpu.memref_slice %arg3[%add3A_216] : memref<81920000xf32, #tpu.memory_space<hbm>> -> memref<80000xf32, #tpu.memory_space<hbm>>
    tpu.wait_dma2 semaphore(%arg8 : memref<!tpu.dma_semaphore, #tpu.memory_space<semaphore_mem>>) src(%arg4 : memref<80000xf32, #tpu.memory_space<vmem>>) dst(%dma_wait3A_293 : memref<80000xf32, #tpu.memory_space<hbm>>)
    %dma_wait3A_294 = tpu.memref_slice %arg3[%add3A_222] : memref<81920000xf32, #tpu.memory_space<hbm>> -> memref<80000xf32, #tpu.memory_space<hbm>>
    %dma_wait3A_295 = tpu.memref_slice %arg3[%add3A_222] : memref<81920000xf32, #tpu.memory_space<hbm>> -> memref<80000xf32, #tpu.memory_space<hbm>>
    tpu.wait_dma2 semaphore(%arg8 : memref<!tpu.dma_semaphore, #tpu.memory_space<semaphore_mem>>) src(%arg4 : memref<80000xf32, #tpu.memory_space<vmem>>) dst(%dma_wait3A_295 : memref<80000xf32, #tpu.memory_space<hbm>>)
    %dma_wait3A_296 = tpu.memref_slice %arg3[%add3A_228] : memref<81920000xf32, #tpu.memory_space<hbm>> -> memref<80000xf32, #tpu.memory_space<hbm>>
    %dma_wait3A_297 = tpu.memref_slice %arg3[%add3A_228] : memref<81920000xf32, #tpu.memory_space<hbm>> -> memref<80000xf32, #tpu.memory_space<hbm>>
    tpu.wait_dma2 semaphore(%arg8 : memref<!tpu.dma_semaphore, #tpu.memory_space<semaphore_mem>>) src(%arg4 : memref<80000xf32, #tpu.memory_space<vmem>>) dst(%dma_wait3A_297 : memref<80000xf32, #tpu.memory_space<hbm>>)
    %dma_wait3A_298 = tpu.memref_slice %arg3[%add3A_234] : memref<81920000xf32, #tpu.memory_space<hbm>> -> memref<80000xf32, #tpu.memory_space<hbm>>
    %dma_wait3A_299 = tpu.memref_slice %arg3[%add3A_234] : memref<81920000xf32, #tpu.memory_space<hbm>> -> memref<80000xf32, #tpu.memory_space<hbm>>
    tpu.wait_dma2 semaphore(%arg8 : memref<!tpu.dma_semaphore, #tpu.memory_space<semaphore_mem>>) src(%arg4 : memref<80000xf32, #tpu.memory_space<vmem>>) dst(%dma_wait3A_299 : memref<80000xf32, #tpu.memory_space<hbm>>)
    %dma_start3A_300 = arith.constant 0 : i32
    %dma_start3A_301 = arith.constant 0 : i32
    %dma_start3A_302 = tpu.memref_slice %arg6[%dma_start3A_300, %dma_start3A_301] : memref<20x128xi32, #tpu.memory_space<vmem>> -> memref<1x128xi32, #tpu.memory_space<vmem>>
    %dma_start3A_303 = tpu.memref_squeeze %dma_start3A_302 : memref<1x128xi32, #tpu.memory_space<vmem>> -> memref<128xi32, #tpu.memory_space<vmem>>
    %dma_start3A_304 = arith.constant 0 : i32
    %dma_start3A_305 = tpu.memref_slice %arg3[%dma_start3A_304] : memref<81920000xf32, #tpu.memory_space<hbm>> -> memref<81920000xf32, #tpu.memory_space<hbm>>
    tpu.enqueue_indirect_dma source(%arg7 : memref<128xf32, #tpu.memory_space<vmem>>) target(%dma_start3A_305 : memref<81920000xf32, #tpu.memory_space<hbm>>) offsets(%dma_start3A_303 : memref<128xi32, #tpu.memory_space<vmem>>) semaphore(%arg9 : memref<!tpu.dma_semaphore, #tpu.memory_space<semaphore_mem>>)
    %dma_start3A_306 = arith.constant 1 : i32
    %dma_start3A_307 = arith.constant 0 : i32
    %dma_start3A_308 = tpu.memref_slice %arg6[%dma_start3A_306, %dma_start3A_307] : memref<20x128xi32, #tpu.memory_space<vmem>> -> memref<1x128xi32, #tpu.memory_space<vmem>>
    %dma_start3A_309 = tpu.memref_squeeze %dma_start3A_308 : memref<1x128xi32, #tpu.memory_space<vmem>> -> memref<128xi32, #tpu.memory_space<vmem>>
    %dma_start3A_310 = arith.constant 0 : i32
    %dma_start3A_311 = tpu.memref_slice %arg3[%dma_start3A_310] : memref<81920000xf32, #tpu.memory_space<hbm>> -> memref<81920000xf32, #tpu.memory_space<hbm>>
    tpu.enqueue_indirect_dma source(%arg7 : memref<128xf32, #tpu.memory_space<vmem>>) target(%dma_start3A_311 : memref<81920000xf32, #tpu.memory_space<hbm>>) offsets(%dma_start3A_309 : memref<128xi32, #tpu.memory_space<vmem>>) semaphore(%arg9 : memref<!tpu.dma_semaphore, #tpu.memory_space<semaphore_mem>>)
    %dma_start3A_312 = arith.constant 2 : i32
    %dma_start3A_313 = arith.constant 0 : i32
    %dma_start3A_314 = tpu.memref_slice %arg6[%dma_start3A_312, %dma_start3A_313] : memref<20x128xi32, #tpu.memory_space<vmem>> -> memref<1x128xi32, #tpu.memory_space<vmem>>
    %dma_start3A_315 = tpu.memref_squeeze %dma_start3A_314 : memref<1x128xi32, #tpu.memory_space<vmem>> -> memref<128xi32, #tpu.memory_space<vmem>>
    %dma_start3A_316 = arith.constant 0 : i32
    %dma_start3A_317 = tpu.memref_slice %arg3[%dma_start3A_316] : memref<81920000xf32, #tpu.memory_space<hbm>> -> memref<81920000xf32, #tpu.memory_space<hbm>>
    tpu.enqueue_indirect_dma source(%arg7 : memref<128xf32, #tpu.memory_space<vmem>>) target(%dma_start3A_317 : memref<81920000xf32, #tpu.memory_space<hbm>>) offsets(%dma_start3A_315 : memref<128xi32, #tpu.memory_space<vmem>>) semaphore(%arg9 : memref<!tpu.dma_semaphore, #tpu.memory_space<semaphore_mem>>)
    %dma_start3A_318 = arith.constant 3 : i32
    %dma_start3A_319 = arith.constant 0 : i32
    %dma_start3A_320 = tpu.memref_slice %arg6[%dma_start3A_318, %dma_start3A_319] : memref<20x128xi32, #tpu.memory_space<vmem>> -> memref<1x128xi32, #tpu.memory_space<vmem>>
    %dma_start3A_321 = tpu.memref_squeeze %dma_start3A_320 : memref<1x128xi32, #tpu.memory_space<vmem>> -> memref<128xi32, #tpu.memory_space<vmem>>
    %dma_start3A_322 = arith.constant 0 : i32
    %dma_start3A_323 = tpu.memref_slice %arg3[%dma_start3A_322] : memref<81920000xf32, #tpu.memory_space<hbm>> -> memref<81920000xf32, #tpu.memory_space<hbm>>
    tpu.enqueue_indirect_dma source(%arg7 : memref<128xf32, #tpu.memory_space<vmem>>) target(%dma_start3A_323 : memref<81920000xf32, #tpu.memory_space<hbm>>) offsets(%dma_start3A_321 : memref<128xi32, #tpu.memory_space<vmem>>) semaphore(%arg9 : memref<!tpu.dma_semaphore, #tpu.memory_space<semaphore_mem>>)
    %dma_start3A_324 = arith.constant 4 : i32
    %dma_start3A_325 = arith.constant 0 : i32
    %dma_start3A_326 = tpu.memref_slice %arg6[%dma_start3A_324, %dma_start3A_325] : memref<20x128xi32, #tpu.memory_space<vmem>> -> memref<1x128xi32, #tpu.memory_space<vmem>>
    %dma_start3A_327 = tpu.memref_squeeze %dma_start3A_326 : memref<1x128xi32, #tpu.memory_space<vmem>> -> memref<128xi32, #tpu.memory_space<vmem>>
    %dma_start3A_328 = arith.constant 0 : i32
    %dma_start3A_329 = tpu.memref_slice %arg3[%dma_start3A_328] : memref<81920000xf32, #tpu.memory_space<hbm>> -> memref<81920000xf32, #tpu.memory_space<hbm>>
    tpu.enqueue_indirect_dma source(%arg7 : memref<128xf32, #tpu.memory_space<vmem>>) target(%dma_start3A_329 : memref<81920000xf32, #tpu.memory_space<hbm>>) offsets(%dma_start3A_327 : memref<128xi32, #tpu.memory_space<vmem>>) semaphore(%arg9 : memref<!tpu.dma_semaphore, #tpu.memory_space<semaphore_mem>>)
    %dma_start3A_330 = arith.constant 5 : i32
    %dma_start3A_331 = arith.constant 0 : i32
    %dma_start3A_332 = tpu.memref_slice %arg6[%dma_start3A_330, %dma_start3A_331] : memref<20x128xi32, #tpu.memory_space<vmem>> -> memref<1x128xi32, #tpu.memory_space<vmem>>
    %dma_start3A_333 = tpu.memref_squeeze %dma_start3A_332 : memref<1x128xi32, #tpu.memory_space<vmem>> -> memref<128xi32, #tpu.memory_space<vmem>>
    %dma_start3A_334 = arith.constant 0 : i32
    %dma_start3A_335 = tpu.memref_slice %arg3[%dma_start3A_334] : memref<81920000xf32, #tpu.memory_space<hbm>> -> memref<81920000xf32, #tpu.memory_space<hbm>>
    tpu.enqueue_indirect_dma source(%arg7 : memref<128xf32, #tpu.memory_space<vmem>>) target(%dma_start3A_335 : memref<81920000xf32, #tpu.memory_space<hbm>>) offsets(%dma_start3A_333 : memref<128xi32, #tpu.memory_space<vmem>>) semaphore(%arg9 : memref<!tpu.dma_semaphore, #tpu.memory_space<semaphore_mem>>)
    %dma_start3A_336 = arith.constant 6 : i32
    %dma_start3A_337 = arith.constant 0 : i32
    %dma_start3A_338 = tpu.memref_slice %arg6[%dma_start3A_336, %dma_start3A_337] : memref<20x128xi32, #tpu.memory_space<vmem>> -> memref<1x128xi32, #tpu.memory_space<vmem>>
    %dma_start3A_339 = tpu.memref_squeeze %dma_start3A_338 : memref<1x128xi32, #tpu.memory_space<vmem>> -> memref<128xi32, #tpu.memory_space<vmem>>
    %dma_start3A_340 = arith.constant 0 : i32
    %dma_start3A_341 = tpu.memref_slice %arg3[%dma_start3A_340] : memref<81920000xf32, #tpu.memory_space<hbm>> -> memref<81920000xf32, #tpu.memory_space<hbm>>
    tpu.enqueue_indirect_dma source(%arg7 : memref<128xf32, #tpu.memory_space<vmem>>) target(%dma_start3A_341 : memref<81920000xf32, #tpu.memory_space<hbm>>) offsets(%dma_start3A_339 : memref<128xi32, #tpu.memory_space<vmem>>) semaphore(%arg9 : memref<!tpu.dma_semaphore, #tpu.memory_space<semaphore_mem>>)
    %dma_start3A_342 = arith.constant 7 : i32
    %dma_start3A_343 = arith.constant 0 : i32
    %dma_start3A_344 = tpu.memref_slice %arg6[%dma_start3A_342, %dma_start3A_343] : memref<20x128xi32, #tpu.memory_space<vmem>> -> memref<1x128xi32, #tpu.memory_space<vmem>>
    %dma_start3A_345 = tpu.memref_squeeze %dma_start3A_344 : memref<1x128xi32, #tpu.memory_space<vmem>> -> memref<128xi32, #tpu.memory_space<vmem>>
    %dma_start3A_346 = arith.constant 0 : i32
    %dma_start3A_347 = tpu.memref_slice %arg3[%dma_start3A_346] : memref<81920000xf32, #tpu.memory_space<hbm>> -> memref<81920000xf32, #tpu.memory_space<hbm>>
    tpu.enqueue_indirect_dma source(%arg7 : memref<128xf32, #tpu.memory_space<vmem>>) target(%dma_start3A_347 : memref<81920000xf32, #tpu.memory_space<hbm>>) offsets(%dma_start3A_345 : memref<128xi32, #tpu.memory_space<vmem>>) semaphore(%arg9 : memref<!tpu.dma_semaphore, #tpu.memory_space<semaphore_mem>>)
    %dma_start3A_348 = arith.constant 8 : i32
    %dma_start3A_349 = arith.constant 0 : i32
    %dma_start3A_350 = tpu.memref_slice %arg6[%dma_start3A_348, %dma_start3A_349] : memref<20x128xi32, #tpu.memory_space<vmem>> -> memref<1x128xi32, #tpu.memory_space<vmem>>
    %dma_start3A_351 = tpu.memref_squeeze %dma_start3A_350 : memref<1x128xi32, #tpu.memory_space<vmem>> -> memref<128xi32, #tpu.memory_space<vmem>>
    %dma_start3A_352 = arith.constant 0 : i32
    %dma_start3A_353 = tpu.memref_slice %arg3[%dma_start3A_352] : memref<81920000xf32, #tpu.memory_space<hbm>> -> memref<81920000xf32, #tpu.memory_space<hbm>>
    tpu.enqueue_indirect_dma source(%arg7 : memref<128xf32, #tpu.memory_space<vmem>>) target(%dma_start3A_353 : memref<81920000xf32, #tpu.memory_space<hbm>>) offsets(%dma_start3A_351 : memref<128xi32, #tpu.memory_space<vmem>>) semaphore(%arg9 : memref<!tpu.dma_semaphore, #tpu.memory_space<semaphore_mem>>)
    %dma_start3A_354 = arith.constant 9 : i32
    %dma_start3A_355 = arith.constant 0 : i32
    %dma_start3A_356 = tpu.memref_slice %arg6[%dma_start3A_354, %dma_start3A_355] : memref<20x128xi32, #tpu.memory_space<vmem>> -> memref<1x128xi32, #tpu.memory_space<vmem>>
    %dma_start3A_357 = tpu.memref_squeeze %dma_start3A_356 : memref<1x128xi32, #tpu.memory_space<vmem>> -> memref<128xi32, #tpu.memory_space<vmem>>
    %dma_start3A_358 = arith.constant 0 : i32
    %dma_start3A_359 = tpu.memref_slice %arg3[%dma_start3A_358] : memref<81920000xf32, #tpu.memory_space<hbm>> -> memref<81920000xf32, #tpu.memory_space<hbm>>
    tpu.enqueue_indirect_dma source(%arg7 : memref<128xf32, #tpu.memory_space<vmem>>) target(%dma_start3A_359 : memref<81920000xf32, #tpu.memory_space<hbm>>) offsets(%dma_start3A_357 : memref<128xi32, #tpu.memory_space<vmem>>) semaphore(%arg9 : memref<!tpu.dma_semaphore, #tpu.memory_space<semaphore_mem>>)
    %dma_start3A_360 = arith.constant 10 : i32
    %dma_start3A_361 = arith.constant 0 : i32
    %dma_start3A_362 = tpu.memref_slice %arg6[%dma_start3A_360, %dma_start3A_361] : memref<20x128xi32, #tpu.memory_space<vmem>> -> memref<1x128xi32, #tpu.memory_space<vmem>>
    %dma_start3A_363 = tpu.memref_squeeze %dma_start3A_362 : memref<1x128xi32, #tpu.memory_space<vmem>> -> memref<128xi32, #tpu.memory_space<vmem>>
    %dma_start3A_364 = arith.constant 0 : i32
    %dma_start3A_365 = tpu.memref_slice %arg3[%dma_start3A_364] : memref<81920000xf32, #tpu.memory_space<hbm>> -> memref<81920000xf32, #tpu.memory_space<hbm>>
    tpu.enqueue_indirect_dma source(%arg7 : memref<128xf32, #tpu.memory_space<vmem>>) target(%dma_start3A_365 : memref<81920000xf32, #tpu.memory_space<hbm>>) offsets(%dma_start3A_363 : memref<128xi32, #tpu.memory_space<vmem>>) semaphore(%arg9 : memref<!tpu.dma_semaphore, #tpu.memory_space<semaphore_mem>>)
    %dma_start3A_366 = arith.constant 11 : i32
    %dma_start3A_367 = arith.constant 0 : i32
    %dma_start3A_368 = tpu.memref_slice %arg6[%dma_start3A_366, %dma_start3A_367] : memref<20x128xi32, #tpu.memory_space<vmem>> -> memref<1x128xi32, #tpu.memory_space<vmem>>
    %dma_start3A_369 = tpu.memref_squeeze %dma_start3A_368 : memref<1x128xi32, #tpu.memory_space<vmem>> -> memref<128xi32, #tpu.memory_space<vmem>>
    %dma_start3A_370 = arith.constant 0 : i32
    %dma_start3A_371 = tpu.memref_slice %arg3[%dma_start3A_370] : memref<81920000xf32, #tpu.memory_space<hbm>> -> memref<81920000xf32, #tpu.memory_space<hbm>>
    tpu.enqueue_indirect_dma source(%arg7 : memref<128xf32, #tpu.memory_space<vmem>>) target(%dma_start3A_371 : memref<81920000xf32, #tpu.memory_space<hbm>>) offsets(%dma_start3A_369 : memref<128xi32, #tpu.memory_space<vmem>>) semaphore(%arg9 : memref<!tpu.dma_semaphore, #tpu.memory_space<semaphore_mem>>)
    %dma_start3A_372 = arith.constant 12 : i32
    %dma_start3A_373 = arith.constant 0 : i32
    %dma_start3A_374 = tpu.memref_slice %arg6[%dma_start3A_372, %dma_start3A_373] : memref<20x128xi32, #tpu.memory_space<vmem>> -> memref<1x128xi32, #tpu.memory_space<vmem>>
    %dma_start3A_375 = tpu.memref_squeeze %dma_start3A_374 : memref<1x128xi32, #tpu.memory_space<vmem>> -> memref<128xi32, #tpu.memory_space<vmem>>
    %dma_start3A_376 = arith.constant 0 : i32
    %dma_start3A_377 = tpu.memref_slice %arg3[%dma_start3A_376] : memref<81920000xf32, #tpu.memory_space<hbm>> -> memref<81920000xf32, #tpu.memory_space<hbm>>
    tpu.enqueue_indirect_dma source(%arg7 : memref<128xf32, #tpu.memory_space<vmem>>) target(%dma_start3A_377 : memref<81920000xf32, #tpu.memory_space<hbm>>) offsets(%dma_start3A_375 : memref<128xi32, #tpu.memory_space<vmem>>) semaphore(%arg9 : memref<!tpu.dma_semaphore, #tpu.memory_space<semaphore_mem>>)
    %dma_start3A_378 = arith.constant 13 : i32
    %dma_start3A_379 = arith.constant 0 : i32
    %dma_start3A_380 = tpu.memref_slice %arg6[%dma_start3A_378, %dma_start3A_379] : memref<20x128xi32, #tpu.memory_space<vmem>> -> memref<1x128xi32, #tpu.memory_space<vmem>>
    %dma_start3A_381 = tpu.memref_squeeze %dma_start3A_380 : memref<1x128xi32, #tpu.memory_space<vmem>> -> memref<128xi32, #tpu.memory_space<vmem>>
    %dma_start3A_382 = arith.constant 0 : i32
    %dma_start3A_383 = tpu.memref_slice %arg3[%dma_start3A_382] : memref<81920000xf32, #tpu.memory_space<hbm>> -> memref<81920000xf32, #tpu.memory_space<hbm>>
    tpu.enqueue_indirect_dma source(%arg7 : memref<128xf32, #tpu.memory_space<vmem>>) target(%dma_start3A_383 : memref<81920000xf32, #tpu.memory_space<hbm>>) offsets(%dma_start3A_381 : memref<128xi32, #tpu.memory_space<vmem>>) semaphore(%arg9 : memref<!tpu.dma_semaphore, #tpu.memory_space<semaphore_mem>>)
    %dma_start3A_384 = arith.constant 14 : i32
    %dma_start3A_385 = arith.constant 0 : i32
    %dma_start3A_386 = tpu.memref_slice %arg6[%dma_start3A_384, %dma_start3A_385] : memref<20x128xi32, #tpu.memory_space<vmem>> -> memref<1x128xi32, #tpu.memory_space<vmem>>
    %dma_start3A_387 = tpu.memref_squeeze %dma_start3A_386 : memref<1x128xi32, #tpu.memory_space<vmem>> -> memref<128xi32, #tpu.memory_space<vmem>>
    %dma_start3A_388 = arith.constant 0 : i32
    %dma_start3A_389 = tpu.memref_slice %arg3[%dma_start3A_388] : memref<81920000xf32, #tpu.memory_space<hbm>> -> memref<81920000xf32, #tpu.memory_space<hbm>>
    tpu.enqueue_indirect_dma source(%arg7 : memref<128xf32, #tpu.memory_space<vmem>>) target(%dma_start3A_389 : memref<81920000xf32, #tpu.memory_space<hbm>>) offsets(%dma_start3A_387 : memref<128xi32, #tpu.memory_space<vmem>>) semaphore(%arg9 : memref<!tpu.dma_semaphore, #tpu.memory_space<semaphore_mem>>)
    %dma_start3A_390 = arith.constant 15 : i32
    %dma_start3A_391 = arith.constant 0 : i32
    %dma_start3A_392 = tpu.memref_slice %arg6[%dma_start3A_390, %dma_start3A_391] : memref<20x128xi32, #tpu.memory_space<vmem>> -> memref<1x128xi32, #tpu.memory_space<vmem>>
    %dma_start3A_393 = tpu.memref_squeeze %dma_start3A_392 : memref<1x128xi32, #tpu.memory_space<vmem>> -> memref<128xi32, #tpu.memory_space<vmem>>
    %dma_start3A_394 = arith.constant 0 : i32
    %dma_start3A_395 = tpu.memref_slice %arg3[%dma_start3A_394] : memref<81920000xf32, #tpu.memory_space<hbm>> -> memref<81920000xf32, #tpu.memory_space<hbm>>
    tpu.enqueue_indirect_dma source(%arg7 : memref<128xf32, #tpu.memory_space<vmem>>) target(%dma_start3A_395 : memref<81920000xf32, #tpu.memory_space<hbm>>) offsets(%dma_start3A_393 : memref<128xi32, #tpu.memory_space<vmem>>) semaphore(%arg9 : memref<!tpu.dma_semaphore, #tpu.memory_space<semaphore_mem>>)
    %dma_start3A_396 = arith.constant 16 : i32
    %dma_start3A_397 = arith.constant 0 : i32
    %dma_start3A_398 = tpu.memref_slice %arg6[%dma_start3A_396, %dma_start3A_397] : memref<20x128xi32, #tpu.memory_space<vmem>> -> memref<1x128xi32, #tpu.memory_space<vmem>>
    %dma_start3A_399 = tpu.memref_squeeze %dma_start3A_398 : memref<1x128xi32, #tpu.memory_space<vmem>> -> memref<128xi32, #tpu.memory_space<vmem>>
    %dma_start3A_400 = arith.constant 0 : i32
    %dma_start3A_401 = tpu.memref_slice %arg3[%dma_start3A_400] : memref<81920000xf32, #tpu.memory_space<hbm>> -> memref<81920000xf32, #tpu.memory_space<hbm>>
    tpu.enqueue_indirect_dma source(%arg7 : memref<128xf32, #tpu.memory_space<vmem>>) target(%dma_start3A_401 : memref<81920000xf32, #tpu.memory_space<hbm>>) offsets(%dma_start3A_399 : memref<128xi32, #tpu.memory_space<vmem>>) semaphore(%arg9 : memref<!tpu.dma_semaphore, #tpu.memory_space<semaphore_mem>>)
    %dma_start3A_402 = arith.constant 17 : i32
    %dma_start3A_403 = arith.constant 0 : i32
    %dma_start3A_404 = tpu.memref_slice %arg6[%dma_start3A_402, %dma_start3A_403] : memref<20x128xi32, #tpu.memory_space<vmem>> -> memref<1x128xi32, #tpu.memory_space<vmem>>
    %dma_start3A_405 = tpu.memref_squeeze %dma_start3A_404 : memref<1x128xi32, #tpu.memory_space<vmem>> -> memref<128xi32, #tpu.memory_space<vmem>>
    %dma_start3A_406 = arith.constant 0 : i32
    %dma_start3A_407 = tpu.memref_slice %arg3[%dma_start3A_406] : memref<81920000xf32, #tpu.memory_space<hbm>> -> memref<81920000xf32, #tpu.memory_space<hbm>>
    tpu.enqueue_indirect_dma source(%arg7 : memref<128xf32, #tpu.memory_space<vmem>>) target(%dma_start3A_407 : memref<81920000xf32, #tpu.memory_space<hbm>>) offsets(%dma_start3A_405 : memref<128xi32, #tpu.memory_space<vmem>>) semaphore(%arg9 : memref<!tpu.dma_semaphore, #tpu.memory_space<semaphore_mem>>)
    %dma_start3A_408 = arith.constant 18 : i32
    %dma_start3A_409 = arith.constant 0 : i32
    %dma_start3A_410 = tpu.memref_slice %arg6[%dma_start3A_408, %dma_start3A_409] : memref<20x128xi32, #tpu.memory_space<vmem>> -> memref<1x128xi32, #tpu.memory_space<vmem>>
    %dma_start3A_411 = tpu.memref_squeeze %dma_start3A_410 : memref<1x128xi32, #tpu.memory_space<vmem>> -> memref<128xi32, #tpu.memory_space<vmem>>
    %dma_start3A_412 = arith.constant 0 : i32
    %dma_start3A_413 = tpu.memref_slice %arg3[%dma_start3A_412] : memref<81920000xf32, #tpu.memory_space<hbm>> -> memref<81920000xf32, #tpu.memory_space<hbm>>
    tpu.enqueue_indirect_dma source(%arg7 : memref<128xf32, #tpu.memory_space<vmem>>) target(%dma_start3A_413 : memref<81920000xf32, #tpu.memory_space<hbm>>) offsets(%dma_start3A_411 : memref<128xi32, #tpu.memory_space<vmem>>) semaphore(%arg9 : memref<!tpu.dma_semaphore, #tpu.memory_space<semaphore_mem>>)
    %dma_start3A_414 = arith.constant 19 : i32
    %dma_start3A_415 = arith.constant 0 : i32
    %dma_start3A_416 = tpu.memref_slice %arg6[%dma_start3A_414, %dma_start3A_415] : memref<20x128xi32, #tpu.memory_space<vmem>> -> memref<1x128xi32, #tpu.memory_space<vmem>>
    %dma_start3A_417 = tpu.memref_squeeze %dma_start3A_416 : memref<1x128xi32, #tpu.memory_space<vmem>> -> memref<128xi32, #tpu.memory_space<vmem>>
    %dma_start3A_418 = arith.constant 0 : i32
    %dma_start3A_419 = tpu.memref_slice %arg3[%dma_start3A_418] : memref<81920000xf32, #tpu.memory_space<hbm>> -> memref<81920000xf32, #tpu.memory_space<hbm>>
    tpu.enqueue_indirect_dma source(%arg7 : memref<128xf32, #tpu.memory_space<vmem>>) target(%dma_start3A_419 : memref<81920000xf32, #tpu.memory_space<hbm>>) offsets(%dma_start3A_417 : memref<128xi32, #tpu.memory_space<vmem>>) semaphore(%arg9 : memref<!tpu.dma_semaphore, #tpu.memory_space<semaphore_mem>>)
    %dma_wait3A_420 = arith.constant 0 : i32
    %dma_wait3A_421 = arith.constant 0 : i32
    %dma_wait3A_422 = tpu.memref_slice %arg6[%dma_wait3A_420, %dma_wait3A_421] : memref<20x128xi32, #tpu.memory_space<vmem>> -> memref<1x128xi32, #tpu.memory_space<vmem>>
    %dma_wait3A_423 = tpu.memref_squeeze %dma_wait3A_422 : memref<1x128xi32, #tpu.memory_space<vmem>> -> memref<128xi32, #tpu.memory_space<vmem>>
    %dma_wait3A_424 = arith.constant 0 : i32
    %dma_wait3A_425 = tpu.memref_slice %arg3[%dma_wait3A_424] : memref<81920000xf32, #tpu.memory_space<hbm>> -> memref<81920000xf32, #tpu.memory_space<hbm>>
    tpu.wait_indirect_dma semaphore(%arg9 : memref<!tpu.dma_semaphore, #tpu.memory_space<semaphore_mem>>) src(%arg7 : memref<128xf32, #tpu.memory_space<vmem>>) dst(%dma_wait3A_425 : memref<81920000xf32, #tpu.memory_space<hbm>>)
    %dma_wait3A_426 = arith.constant 1 : i32
    %dma_wait3A_427 = arith.constant 0 : i32
    %dma_wait3A_428 = tpu.memref_slice %arg6[%dma_wait3A_426, %dma_wait3A_427] : memref<20x128xi32, #tpu.memory_space<vmem>> -> memref<1x128xi32, #tpu.memory_space<vmem>>
    %dma_wait3A_429 = tpu.memref_squeeze %dma_wait3A_428 : memref<1x128xi32, #tpu.memory_space<vmem>> -> memref<128xi32, #tpu.memory_space<vmem>>
    %dma_wait3A_430 = arith.constant 0 : i32
    %dma_wait3A_431 = tpu.memref_slice %arg3[%dma_wait3A_430] : memref<81920000xf32, #tpu.memory_space<hbm>> -> memref<81920000xf32, #tpu.memory_space<hbm>>
    tpu.wait_indirect_dma semaphore(%arg9 : memref<!tpu.dma_semaphore, #tpu.memory_space<semaphore_mem>>) src(%arg7 : memref<128xf32, #tpu.memory_space<vmem>>) dst(%dma_wait3A_431 : memref<81920000xf32, #tpu.memory_space<hbm>>)
    %dma_wait3A_432 = arith.constant 2 : i32
    %dma_wait3A_433 = arith.constant 0 : i32
    %dma_wait3A_434 = tpu.memref_slice %arg6[%dma_wait3A_432, %dma_wait3A_433] : memref<20x128xi32, #tpu.memory_space<vmem>> -> memref<1x128xi32, #tpu.memory_space<vmem>>
    %dma_wait3A_435 = tpu.memref_squeeze %dma_wait3A_434 : memref<1x128xi32, #tpu.memory_space<vmem>> -> memref<128xi32, #tpu.memory_space<vmem>>
    %dma_wait3A_436 = arith.constant 0 : i32
    %dma_wait3A_437 = tpu.memref_slice %arg3[%dma_wait3A_436] : memref<81920000xf32, #tpu.memory_space<hbm>> -> memref<81920000xf32, #tpu.memory_space<hbm>>
    tpu.wait_indirect_dma semaphore(%arg9 : memref<!tpu.dma_semaphore, #tpu.memory_space<semaphore_mem>>) src(%arg7 : memref<128xf32, #tpu.memory_space<vmem>>) dst(%dma_wait3A_437 : memref<81920000xf32, #tpu.memory_space<hbm>>)
    %dma_wait3A_438 = arith.constant 3 : i32
    %dma_wait3A_439 = arith.constant 0 : i32
    %dma_wait3A_440 = tpu.memref_slice %arg6[%dma_wait3A_438, %dma_wait3A_439] : memref<20x128xi32, #tpu.memory_space<vmem>> -> memref<1x128xi32, #tpu.memory_space<vmem>>
    %dma_wait3A_441 = tpu.memref_squeeze %dma_wait3A_440 : memref<1x128xi32, #tpu.memory_space<vmem>> -> memref<128xi32, #tpu.memory_space<vmem>>
    %dma_wait3A_442 = arith.constant 0 : i32
    %dma_wait3A_443 = tpu.memref_slice %arg3[%dma_wait3A_442] : memref<81920000xf32, #tpu.memory_space<hbm>> -> memref<81920000xf32, #tpu.memory_space<hbm>>
    tpu.wait_indirect_dma semaphore(%arg9 : memref<!tpu.dma_semaphore, #tpu.memory_space<semaphore_mem>>) src(%arg7 : memref<128xf32, #tpu.memory_space<vmem>>) dst(%dma_wait3A_443 : memref<81920000xf32, #tpu.memory_space<hbm>>)
    %dma_wait3A_444 = arith.constant 4 : i32
    %dma_wait3A_445 = arith.constant 0 : i32
    %dma_wait3A_446 = tpu.memref_slice %arg6[%dma_wait3A_444, %dma_wait3A_445] : memref<20x128xi32, #tpu.memory_space<vmem>> -> memref<1x128xi32, #tpu.memory_space<vmem>>
    %dma_wait3A_447 = tpu.memref_squeeze %dma_wait3A_446 : memref<1x128xi32, #tpu.memory_space<vmem>> -> memref<128xi32, #tpu.memory_space<vmem>>
    %dma_wait3A_448 = arith.constant 0 : i32
    %dma_wait3A_449 = tpu.memref_slice %arg3[%dma_wait3A_448] : memref<81920000xf32, #tpu.memory_space<hbm>> -> memref<81920000xf32, #tpu.memory_space<hbm>>
    tpu.wait_indirect_dma semaphore(%arg9 : memref<!tpu.dma_semaphore, #tpu.memory_space<semaphore_mem>>) src(%arg7 : memref<128xf32, #tpu.memory_space<vmem>>) dst(%dma_wait3A_449 : memref<81920000xf32, #tpu.memory_space<hbm>>)
    %dma_wait3A_450 = arith.constant 5 : i32
    %dma_wait3A_451 = arith.constant 0 : i32
    %dma_wait3A_452 = tpu.memref_slice %arg6[%dma_wait3A_450, %dma_wait3A_451] : memref<20x128xi32, #tpu.memory_space<vmem>> -> memref<1x128xi32, #tpu.memory_space<vmem>>
    %dma_wait3A_453 = tpu.memref_squeeze %dma_wait3A_452 : memref<1x128xi32, #tpu.memory_space<vmem>> -> memref<128xi32, #tpu.memory_space<vmem>>
    %dma_wait3A_454 = arith.constant 0 : i32
    %dma_wait3A_455 = tpu.memref_slice %arg3[%dma_wait3A_454] : memref<81920000xf32, #tpu.memory_space<hbm>> -> memref<81920000xf32, #tpu.memory_space<hbm>>
    tpu.wait_indirect_dma semaphore(%arg9 : memref<!tpu.dma_semaphore, #tpu.memory_space<semaphore_mem>>) src(%arg7 : memref<128xf32, #tpu.memory_space<vmem>>) dst(%dma_wait3A_455 : memref<81920000xf32, #tpu.memory_space<hbm>>)
    %dma_wait3A_456 = arith.constant 6 : i32
    %dma_wait3A_457 = arith.constant 0 : i32
    %dma_wait3A_458 = tpu.memref_slice %arg6[%dma_wait3A_456, %dma_wait3A_457] : memref<20x128xi32, #tpu.memory_space<vmem>> -> memref<1x128xi32, #tpu.memory_space<vmem>>
    %dma_wait3A_459 = tpu.memref_squeeze %dma_wait3A_458 : memref<1x128xi32, #tpu.memory_space<vmem>> -> memref<128xi32, #tpu.memory_space<vmem>>
    %dma_wait3A_460 = arith.constant 0 : i32
    %dma_wait3A_461 = tpu.memref_slice %arg3[%dma_wait3A_460] : memref<81920000xf32, #tpu.memory_space<hbm>> -> memref<81920000xf32, #tpu.memory_space<hbm>>
    tpu.wait_indirect_dma semaphore(%arg9 : memref<!tpu.dma_semaphore, #tpu.memory_space<semaphore_mem>>) src(%arg7 : memref<128xf32, #tpu.memory_space<vmem>>) dst(%dma_wait3A_461 : memref<81920000xf32, #tpu.memory_space<hbm>>)
    %dma_wait3A_462 = arith.constant 7 : i32
    %dma_wait3A_463 = arith.constant 0 : i32
    %dma_wait3A_464 = tpu.memref_slice %arg6[%dma_wait3A_462, %dma_wait3A_463] : memref<20x128xi32, #tpu.memory_space<vmem>> -> memref<1x128xi32, #tpu.memory_space<vmem>>
    %dma_wait3A_465 = tpu.memref_squeeze %dma_wait3A_464 : memref<1x128xi32, #tpu.memory_space<vmem>> -> memref<128xi32, #tpu.memory_space<vmem>>
    %dma_wait3A_466 = arith.constant 0 : i32
    %dma_wait3A_467 = tpu.memref_slice %arg3[%dma_wait3A_466] : memref<81920000xf32, #tpu.memory_space<hbm>> -> memref<81920000xf32, #tpu.memory_space<hbm>>
    tpu.wait_indirect_dma semaphore(%arg9 : memref<!tpu.dma_semaphore, #tpu.memory_space<semaphore_mem>>) src(%arg7 : memref<128xf32, #tpu.memory_space<vmem>>) dst(%dma_wait3A_467 : memref<81920000xf32, #tpu.memory_space<hbm>>)
    %dma_wait3A_468 = arith.constant 8 : i32
    %dma_wait3A_469 = arith.constant 0 : i32
    %dma_wait3A_470 = tpu.memref_slice %arg6[%dma_wait3A_468, %dma_wait3A_469] : memref<20x128xi32, #tpu.memory_space<vmem>> -> memref<1x128xi32, #tpu.memory_space<vmem>>
    %dma_wait3A_471 = tpu.memref_squeeze %dma_wait3A_470 : memref<1x128xi32, #tpu.memory_space<vmem>> -> memref<128xi32, #tpu.memory_space<vmem>>
    %dma_wait3A_472 = arith.constant 0 : i32
    %dma_wait3A_473 = tpu.memref_slice %arg3[%dma_wait3A_472] : memref<81920000xf32, #tpu.memory_space<hbm>> -> memref<81920000xf32, #tpu.memory_space<hbm>>
    tpu.wait_indirect_dma semaphore(%arg9 : memref<!tpu.dma_semaphore, #tpu.memory_space<semaphore_mem>>) src(%arg7 : memref<128xf32, #tpu.memory_space<vmem>>) dst(%dma_wait3A_473 : memref<81920000xf32, #tpu.memory_space<hbm>>)
    %dma_wait3A_474 = arith.constant 9 : i32
    %dma_wait3A_475 = arith.constant 0 : i32
    %dma_wait3A_476 = tpu.memref_slice %arg6[%dma_wait3A_474, %dma_wait3A_475] : memref<20x128xi32, #tpu.memory_space<vmem>> -> memref<1x128xi32, #tpu.memory_space<vmem>>
    %dma_wait3A_477 = tpu.memref_squeeze %dma_wait3A_476 : memref<1x128xi32, #tpu.memory_space<vmem>> -> memref<128xi32, #tpu.memory_space<vmem>>
    %dma_wait3A_478 = arith.constant 0 : i32
    %dma_wait3A_479 = tpu.memref_slice %arg3[%dma_wait3A_478] : memref<81920000xf32, #tpu.memory_space<hbm>> -> memref<81920000xf32, #tpu.memory_space<hbm>>
    tpu.wait_indirect_dma semaphore(%arg9 : memref<!tpu.dma_semaphore, #tpu.memory_space<semaphore_mem>>) src(%arg7 : memref<128xf32, #tpu.memory_space<vmem>>) dst(%dma_wait3A_479 : memref<81920000xf32, #tpu.memory_space<hbm>>)
    %dma_wait3A_480 = arith.constant 10 : i32
    %dma_wait3A_481 = arith.constant 0 : i32
    %dma_wait3A_482 = tpu.memref_slice %arg6[%dma_wait3A_480, %dma_wait3A_481] : memref<20x128xi32, #tpu.memory_space<vmem>> -> memref<1x128xi32, #tpu.memory_space<vmem>>
    %dma_wait3A_483 = tpu.memref_squeeze %dma_wait3A_482 : memref<1x128xi32, #tpu.memory_space<vmem>> -> memref<128xi32, #tpu.memory_space<vmem>>
    %dma_wait3A_484 = arith.constant 0 : i32
    %dma_wait3A_485 = tpu.memref_slice %arg3[%dma_wait3A_484] : memref<81920000xf32, #tpu.memory_space<hbm>> -> memref<81920000xf32, #tpu.memory_space<hbm>>
    tpu.wait_indirect_dma semaphore(%arg9 : memref<!tpu.dma_semaphore, #tpu.memory_space<semaphore_mem>>) src(%arg7 : memref<128xf32, #tpu.memory_space<vmem>>) dst(%dma_wait3A_485 : memref<81920000xf32, #tpu.memory_space<hbm>>)
    %dma_wait3A_486 = arith.constant 11 : i32
    %dma_wait3A_487 = arith.constant 0 : i32
    %dma_wait3A_488 = tpu.memref_slice %arg6[%dma_wait3A_486, %dma_wait3A_487] : memref<20x128xi32, #tpu.memory_space<vmem>> -> memref<1x128xi32, #tpu.memory_space<vmem>>
    %dma_wait3A_489 = tpu.memref_squeeze %dma_wait3A_488 : memref<1x128xi32, #tpu.memory_space<vmem>> -> memref<128xi32, #tpu.memory_space<vmem>>
    %dma_wait3A_490 = arith.constant 0 : i32
    %dma_wait3A_491 = tpu.memref_slice %arg3[%dma_wait3A_490] : memref<81920000xf32, #tpu.memory_space<hbm>> -> memref<81920000xf32, #tpu.memory_space<hbm>>
    tpu.wait_indirect_dma semaphore(%arg9 : memref<!tpu.dma_semaphore, #tpu.memory_space<semaphore_mem>>) src(%arg7 : memref<128xf32, #tpu.memory_space<vmem>>) dst(%dma_wait3A_491 : memref<81920000xf32, #tpu.memory_space<hbm>>)
    %dma_wait3A_492 = arith.constant 12 : i32
    %dma_wait3A_493 = arith.constant 0 : i32
    %dma_wait3A_494 = tpu.memref_slice %arg6[%dma_wait3A_492, %dma_wait3A_493] : memref<20x128xi32, #tpu.memory_space<vmem>> -> memref<1x128xi32, #tpu.memory_space<vmem>>
    %dma_wait3A_495 = tpu.memref_squeeze %dma_wait3A_494 : memref<1x128xi32, #tpu.memory_space<vmem>> -> memref<128xi32, #tpu.memory_space<vmem>>
    %dma_wait3A_496 = arith.constant 0 : i32
    %dma_wait3A_497 = tpu.memref_slice %arg3[%dma_wait3A_496] : memref<81920000xf32, #tpu.memory_space<hbm>> -> memref<81920000xf32, #tpu.memory_space<hbm>>
    tpu.wait_indirect_dma semaphore(%arg9 : memref<!tpu.dma_semaphore, #tpu.memory_space<semaphore_mem>>) src(%arg7 : memref<128xf32, #tpu.memory_space<vmem>>) dst(%dma_wait3A_497 : memref<81920000xf32, #tpu.memory_space<hbm>>)
    %dma_wait3A_498 = arith.constant 13 : i32
    %dma_wait3A_499 = arith.constant 0 : i32
    %dma_wait3A_500 = tpu.memref_slice %arg6[%dma_wait3A_498, %dma_wait3A_499] : memref<20x128xi32, #tpu.memory_space<vmem>> -> memref<1x128xi32, #tpu.memory_space<vmem>>
    %dma_wait3A_501 = tpu.memref_squeeze %dma_wait3A_500 : memref<1x128xi32, #tpu.memory_space<vmem>> -> memref<128xi32, #tpu.memory_space<vmem>>
    %dma_wait3A_502 = arith.constant 0 : i32
    %dma_wait3A_503 = tpu.memref_slice %arg3[%dma_wait3A_502] : memref<81920000xf32, #tpu.memory_space<hbm>> -> memref<81920000xf32, #tpu.memory_space<hbm>>
    tpu.wait_indirect_dma semaphore(%arg9 : memref<!tpu.dma_semaphore, #tpu.memory_space<semaphore_mem>>) src(%arg7 : memref<128xf32, #tpu.memory_space<vmem>>) dst(%dma_wait3A_503 : memref<81920000xf32, #tpu.memory_space<hbm>>)
    %dma_wait3A_504 = arith.constant 14 : i32
    %dma_wait3A_505 = arith.constant 0 : i32
    %dma_wait3A_506 = tpu.memref_slice %arg6[%dma_wait3A_504, %dma_wait3A_505] : memref<20x128xi32, #tpu.memory_space<vmem>> -> memref<1x128xi32, #tpu.memory_space<vmem>>
    %dma_wait3A_507 = tpu.memref_squeeze %dma_wait3A_506 : memref<1x128xi32, #tpu.memory_space<vmem>> -> memref<128xi32, #tpu.memory_space<vmem>>
    %dma_wait3A_508 = arith.constant 0 : i32
    %dma_wait3A_509 = tpu.memref_slice %arg3[%dma_wait3A_508] : memref<81920000xf32, #tpu.memory_space<hbm>> -> memref<81920000xf32, #tpu.memory_space<hbm>>
    tpu.wait_indirect_dma semaphore(%arg9 : memref<!tpu.dma_semaphore, #tpu.memory_space<semaphore_mem>>) src(%arg7 : memref<128xf32, #tpu.memory_space<vmem>>) dst(%dma_wait3A_509 : memref<81920000xf32, #tpu.memory_space<hbm>>)
    %dma_wait3A_510 = arith.constant 15 : i32
    %dma_wait3A_511 = arith.constant 0 : i32
    %dma_wait3A_512 = tpu.memref_slice %arg6[%dma_wait3A_510, %dma_wait3A_511] : memref<20x128xi32, #tpu.memory_space<vmem>> -> memref<1x128xi32, #tpu.memory_space<vmem>>
    %dma_wait3A_513 = tpu.memref_squeeze %dma_wait3A_512 : memref<1x128xi32, #tpu.memory_space<vmem>> -> memref<128xi32, #tpu.memory_space<vmem>>
    %dma_wait3A_514 = arith.constant 0 : i32
    %dma_wait3A_515 = tpu.memref_slice %arg3[%dma_wait3A_514] : memref<81920000xf32, #tpu.memory_space<hbm>> -> memref<81920000xf32, #tpu.memory_space<hbm>>
    tpu.wait_indirect_dma semaphore(%arg9 : memref<!tpu.dma_semaphore, #tpu.memory_space<semaphore_mem>>) src(%arg7 : memref<128xf32, #tpu.memory_space<vmem>>) dst(%dma_wait3A_515 : memref<81920000xf32, #tpu.memory_space<hbm>>)
    %dma_wait3A_516 = arith.constant 16 : i32
    %dma_wait3A_517 = arith.constant 0 : i32
    %dma_wait3A_518 = tpu.memref_slice %arg6[%dma_wait3A_516, %dma_wait3A_517] : memref<20x128xi32, #tpu.memory_space<vmem>> -> memref<1x128xi32, #tpu.memory_space<vmem>>
    %dma_wait3A_519 = tpu.memref_squeeze %dma_wait3A_518 : memref<1x128xi32, #tpu.memory_space<vmem>> -> memref<128xi32, #tpu.memory_space<vmem>>
    %dma_wait3A_520 = arith.constant 0 : i32
    %dma_wait3A_521 = tpu.memref_slice %arg3[%dma_wait3A_520] : memref<81920000xf32, #tpu.memory_space<hbm>> -> memref<81920000xf32, #tpu.memory_space<hbm>>
    tpu.wait_indirect_dma semaphore(%arg9 : memref<!tpu.dma_semaphore, #tpu.memory_space<semaphore_mem>>) src(%arg7 : memref<128xf32, #tpu.memory_space<vmem>>) dst(%dma_wait3A_521 : memref<81920000xf32, #tpu.memory_space<hbm>>)
    %dma_wait3A_522 = arith.constant 17 : i32
    %dma_wait3A_523 = arith.constant 0 : i32
    %dma_wait3A_524 = tpu.memref_slice %arg6[%dma_wait3A_522, %dma_wait3A_523] : memref<20x128xi32, #tpu.memory_space<vmem>> -> memref<1x128xi32, #tpu.memory_space<vmem>>
    %dma_wait3A_525 = tpu.memref_squeeze %dma_wait3A_524 : memref<1x128xi32, #tpu.memory_space<vmem>> -> memref<128xi32, #tpu.memory_space<vmem>>
    %dma_wait3A_526 = arith.constant 0 : i32
    %dma_wait3A_527 = tpu.memref_slice %arg3[%dma_wait3A_526] : memref<81920000xf32, #tpu.memory_space<hbm>> -> memref<81920000xf32, #tpu.memory_space<hbm>>
    tpu.wait_indirect_dma semaphore(%arg9 : memref<!tpu.dma_semaphore, #tpu.memory_space<semaphore_mem>>) src(%arg7 : memref<128xf32, #tpu.memory_space<vmem>>) dst(%dma_wait3A_527 : memref<81920000xf32, #tpu.memory_space<hbm>>)
    %dma_wait3A_528 = arith.constant 18 : i32
    %dma_wait3A_529 = arith.constant 0 : i32
    %dma_wait3A_530 = tpu.memref_slice %arg6[%dma_wait3A_528, %dma_wait3A_529] : memref<20x128xi32, #tpu.memory_space<vmem>> -> memref<1x128xi32, #tpu.memory_space<vmem>>
    %dma_wait3A_531 = tpu.memref_squeeze %dma_wait3A_530 : memref<1x128xi32, #tpu.memory_space<vmem>> -> memref<128xi32, #tpu.memory_space<vmem>>
    %dma_wait3A_532 = arith.constant 0 : i32
    %dma_wait3A_533 = tpu.memref_slice %arg3[%dma_wait3A_532] : memref<81920000xf32, #tpu.memory_space<hbm>> -> memref<81920000xf32, #tpu.memory_space<hbm>>
    tpu.wait_indirect_dma semaphore(%arg9 : memref<!tpu.dma_semaphore, #tpu.memory_space<semaphore_mem>>) src(%arg7 : memref<128xf32, #tpu.memory_space<vmem>>) dst(%dma_wait3A_533 : memref<81920000xf32, #tpu.memory_space<hbm>>)
    %dma_wait3A_534 = arith.constant 19 : i32
    %dma_wait3A_535 = arith.constant 0 : i32
    %dma_wait3A_536 = tpu.memref_slice %arg6[%dma_wait3A_534, %dma_wait3A_535] : memref<20x128xi32, #tpu.memory_space<vmem>> -> memref<1x128xi32, #tpu.memory_space<vmem>>
    %dma_wait3A_537 = tpu.memref_squeeze %dma_wait3A_536 : memref<1x128xi32, #tpu.memory_space<vmem>> -> memref<128xi32, #tpu.memory_space<vmem>>
    %dma_wait3A_538 = arith.constant 0 : i32
    %dma_wait3A_539 = tpu.memref_slice %arg3[%dma_wait3A_538] : memref<81920000xf32, #tpu.memory_space<hbm>> -> memref<81920000xf32, #tpu.memory_space<hbm>>
    tpu.wait_indirect_dma semaphore(%arg9 : memref<!tpu.dma_semaphore, #tpu.memory_space<semaphore_mem>>) src(%arg7 : memref<128xf32, #tpu.memory_space<vmem>>) dst(%dma_wait3A_539 : memref<81920000xf32, #tpu.memory_space<hbm>>)
    return
  }
}

</mosaic_0001>

<sc_bundles>
// kernel: kernel.3.cloned.1.call-start
scs
__scs_entry_jumppad:
0x0: {  	(pc) =	sbr.rel $0x88, $3  }
0x1: {  	(tag) =	ssettag $0x0;
	lr =	simm.s32 $0x1  }
0x2: {  	[smem:$0x3FA0] =	sst lr;
	_ =	strace $0xD0000000  }
0x3: {  	_ = 	snop  }
0x4: {  	_ = 	snop  }
0x5: {  	_ = 	snop  }
0x6: {  	_ = 	snop  }
0x7: {  	_ = 	snop  }
__scs_overlays_trampoline_lowered:
0x8: {  	[smem:$0x3FAF] =	sst s0  }
0x9: {  	[smem:$0x3FB0] =	sst s1  }
0xa: {  	[smem:$0x3FB1] =	sst s2  }
0xb: {  	[smem:$0x3FB2] =	sst s3  }
0xc: {  	[smem:$0x3FB3] =	sst s4  }
0xd: {  	[smem:$0x3FB4] =	sst s5  }
0xe: {  	[smem:$0x3FB5] =	sst s6  }
0xf: {  	[smem:$0x3FB6] =	sst s7  }
0x10: {  	[smem:$0x3FB7] =	sst s8  }
0x11: {  	[smem:$0x3FB8] =	sst s9;
	s0 =	simm.s32 @!p0 $0x0  }
0x12: {  	s1 =	sld [smem:$0x3F9E];
	s0 =	simm.s32 @p0 $0x1  }
0x13: {  	[smem:$0x3FB9] =	sst s0;
	s0 =	simm.s32 @!p1 $0x0  }
0x14: {  	s2 =	sld [smem:$0x3F9D];
	s0 =	simm.s32 @p1 $0x1  }
0x15: {  	[smem:$0x3FBA] =	sst s0;
	s0 =	simm.s32 @!p2 $0x0  }
0x16: {  	s3 =	sld [smem:$0x3FDB];
	s0 =	simm.s32 @p2 $0x1  }
0x17: {  	s4 =	simm.s32 $0x1BF5;
	[smem:$0x3FBC] =	sst s0  }
0x18: {  	s0 =	sld [smem:$0x3F9F];
	_ =	swait.ge [sflag:s4], $0x0  }
0x19: {  	s7 =	sld [smem:$0x3FA0]  }
0x1a: {  	s8 =	sadd.s32 $0xFFFFE003, lr  }
0x1b: {  	s9 =	sadd.s32 $0xFFFFFEF7, lr;
	s5 =	simm.s32 $0xFFFFFFFF;
	p2 =	slt.u32 s8, $0xFFFFF086  }
0x1c: {  	p1 =	slt.u32 s9, $0xF7A;
	s5 =	simm.s32 @!p2 $0x0  }
0x1d: {  	s5 =	simm.s32 @p1 $0x1;
	p0 =	seq.s32 s7, s2  }
0x1e: {  	s7 =	smul.u32 @!p0 $0xF7A, s2;
	p2 =	seq.s32 @!p0 s5, $0x0  }
0x1f: {  	s9 =	smul.u32 $0xF7A, s1;
	s8 =	simm.s32 @!p0 $0x1BF5;
	p2 =	por !p2, p0  }
0x20: {  	[sflag:s8] =	ssyncset.s32 @!p0 $0xFFFFF086;
	s6 =	sadd.s32 @!p0 s3, s7;
	s7 =	simm.s32 @!p0 $0x108  }
0x21: {  	s3 =	sadd.s32 s3, s9;
	s6 =	sadd.s32 @!p0 $0x88, s6;
	s7 =	simm.s32 @p2 $0x1082  }
0x22: {  	[simem:s7], [sflag:s8] =	dma.local @!p0 [hbm:s6], $0xF7A  }
0x23: {  	s9 =	sor.u32 $0xD0000000, s2;
	s6 =	simm.s32 $0x108;
	_ =	swait.ge @!p0 [sflag:s8], $0x0  }
0x24: {  	s3 =	sadd.s32 $0x88, s3;
	s6 =	simm.s32 @!p1 $0x1082;
	[sflag:s4] =	ssyncset.s32 $0xFFFFF086  }
0x25: {  	[simem:s6], [sflag:s4] =	dma.local [hbm:s3], $0xF7A  }
0x26: {  	[smem:$0x3FA0] =	sst s1;
	(tag) =	ssettag s2;
	_ =	strace s9  }
0x27: {  	s1 =	sld [smem:$0x3FB0]  }
0x28: {  	s2 =	sld [smem:$0x3FB1]  }
0x29: {  	s4 =	sld [smem:$0x3FB3]  }
0x2a: {  	p0 =	seq.s32 s5, $0x0;
	s5 =	sld [smem:$0x3FB4]  }
0x2b: {  	s6 =	sld [smem:$0x3FB5]  }
0x2c: {  	s7 =	sld [smem:$0x3FB6]  }
0x2d: {  	s3 =	simm.s32 $0x108;
	s8 =	sld [smem:$0x3FB7]  }
0x2e: {  	s3 =	simm.s32 @!p0 $0x1082;
	s9 =	sld [smem:$0x3FB8]  }
0x2f: {  	lr =	sadd.s32 s0, s3;
	s0 =	sld [smem:$0x3FAF]  }
0x30: {  	s3 =	sld [smem:$0x3FB2]  }
0x31: {  	[smem:$0x3FBB] =	sst s10  }
0x32: {  	s10 =	sld [smem:$0x3FB9];
	_ =	sdelay $0x3  }
0x33: {  	p0 =	seq.s32 s10, $0x1;
	s10 =	sld [smem:$0x3FBB];
	_ =	sdelay $0x3  }
0x34: {  	[smem:$0x3FBB] =	sst s10  }
0x35: {  	s10 =	sld [smem:$0x3FBA];
	_ =	sdelay $0x3  }
0x36: {  	p1 =	seq.s32 s10, $0x1;
	s10 =	sld [smem:$0x3FBB];
	_ =	sdelay $0x3  }
0x37: {  	[smem:$0x3FBB] =	sst s10  }
0x38: {  	s10 =	sld [smem:$0x3FBC]  }
0x39: {  	_ = 	snop;
	(pc) =	sbr.ind lr, $3  }
0x3a: {  	_ = 	snop  }
0x3b: {  	_ = 	snop  }
0x3c: {  	p2 =	seq.s32 s10, $0x1;
	s10 =	sld [smem:$0x3FBB]  }
0x3d: {  	_ =	shalt  }
0x3e: {  	_ =	shalt  }
0x3f: {  	_ =	shalt  }
0x40: {  	_ =	shalt  }
0x41: {  	_ =	shalt  }
0x42: {  	_ =	shalt  }
0x43: {  	_ =	shalt  }
0x44: {  	_ =	shalt  }
0x45: {  	_ =	shalt  }
0x46: {  	_ =	shalt  }
0x47: {  	_ =	shalt  }
0x48: {  	_ =	shalt  }
0x49: {  	_ =	shalt  }
0x4a: {  	_ =	shalt  }
0x4b: {  	_ =	shalt  }
0x4c: {  	_ =	shalt  }
0x4d: {  	_ =	shalt  }
0x4e: {  	_ =	shalt  }
0x4f: {  	_ =	shalt  }
0x50: {  	_ =	shalt  }
0x51: {  	_ =	shalt  }
0x52: {  	_ =	shalt  }
0x53: {  	_ =	shalt  }
0x54: {  	_ =	shalt  }
0x55: {  	_ =	shalt  }
0x56: {  	_ =	shalt  }
0x57: {  	_ =	shalt  }
0x58: {  	_ =	shalt  }
0x59: {  	_ =	shalt  }
0x5a: {  	_ =	shalt  }
0x5b: {  	_ =	shalt  }
0x5c: {  	_ =	shalt  }
0x5d: {  	_ =	shalt  }
0x5e: {  	_ =	shalt  }
0x5f: {  	_ =	shalt  }
0x60: {  	_ =	shalt  }
0x61: {  	_ =	shalt  }
0x62: {  	_ =	shalt  }
0x63: {  	_ =	shalt  }
0x64: {  	_ =	shalt  }
0x65: {  	_ =	shalt  }
0x66: {  	_ =	shalt  }
0x67: {  	_ =	shalt  }
0x68: {  	_ =	shalt  }
0x69: {  	_ =	shalt  }
0x6a: {  	_ =	shalt  }
0x6b: {  	_ =	shalt  }
0x6c: {  	_ =	shalt  }
0x6d: {  	_ =	shalt  }
0x6e: {  	_ =	shalt  }
0x6f: {  	_ =	shalt  }
0x70: {  	_ =	shalt  }
0x71: {  	_ =	shalt  }
0x72: {  	_ =	shalt  }
0x73: {  	_ =	shalt  }
0x74: {  	_ =	shalt  }
0x75: {  	_ =	shalt  }
0x76: {  	_ =	shalt  }
0x77: {  	_ =	shalt  }
0x78: {  	_ =	shalt  }
0x79: {  	_ =	shalt  }
0x7a: {  	_ =	shalt  }
0x7b: {  	_ =	shalt  }
0x7c: {  	_ =	shalt  }
0x7d: {  	_ =	shalt  }
0x7e: {  	_ =	shalt  }
0x7f: {  	_ =	shalt  }
0x80: {  	_ =	shalt  }
0x81: {  	_ =	shalt  }
0x82: {  	_ =	shalt  }
0x83: {  	_ =	shalt  }
0x84: {  	_ =	shalt  }
0x85: {  	_ =	shalt  }
0x86: {  	_ =	shalt  }
0x87: {  	_ =	shalt  }
.Lfunc_end0:
.L_simem_size_0:
called_computation.1_lowered:
.L_overlay_start_0:
0x88: {  	s2 =	sld [smem:$0x3FD9]  }
0x89: {  	s3 =	sld [smem:$0x3FFE];
	_ =	sdelay $0x1  }
0x8a: {  	s1 =	srdreg.scid  }
0x8b: {  	s0 =	sand.u32 $0x1, s1  }
0x8c: {  	s17 =	sshll.u32 s0, $0xA;
	s2 =	sadd.s32 s3, s2  }
0x8d: {  	s2 =	sadd.s32 s2, s17  }
0x8e: {  	[smem:$0x3FC7] =	sst s2  }
0x8f: {  	_ = 	snop  }
0x90: {  	s2 =	sld [smem:$0x3FD0];
	(tm) =	ssettm $0x1  }
0x91: {  	s18 =	sld [smem:$0x3FFB];
	_ =	sdelay $0x3  }
0x92: {  	_ =	strace s18  }
0x93: {  	s3 =	sld [smem:$0x3FFC];
	_ =	sdelay $0x3  }
0x94: {  	_ =	strace s3  }
0x95: {  	s3 =	sld [smem:$0x3FFD];
	_ =	sdelay $0x3  }
0x96: {  	_ =	strace s3  }
0x97: {  	_ =	strace $0x8FFFFFFF  }
0x98: {  	s19 =	sld [smem:$0x3FDB];
	_ =	sdelay $0x1  }
0x99: {  	s4 =	simm.s32 $_scs_section_size  }
0x9a: {  	s5 =	simm.s32 $_size__tile_overlayer_lowered;
	s6 =	simm.s32 $_tile_overlayer_lowered  }
0x9b: {  	s22 =	simm.s32 $0x1BFF;
	s21 =	sshll.u32 s6, $0x1;
	s3 =	sadd.s32 s4, s19  }
0x9c: {  	s7 =	simm.s32 $0x0;
	s20 =	sshll.u32 s5, $0x1;
	s5 =	sadd.s32 s21, s3  }
0x9d: {  	[timem:s7], [sflag:s22] =	dma.local [hbm:s5], s20  }
0x9e: {  	_ =	swait.ge [sflag:s22], s20  }
0x9f: {  	s4 =	ssub.s32 $0x0, s20;
	[sflag:s22] =	ssyncset.done $0x0  }
0xa0: {  	[sflag:s22] =	ssyncadd.s32 s4;
	_ =	sdelay $0x1  }
0xa1: {  	s23 =	simm.s32 $0x1B8B  }
0xa2: {  	_ =	swait.ge [sflag:s23], $0x1  }
0xa3: {  	[sflag:s23] =	ssyncset.done $0x0  }
0xa4: {  	s25 =	simm.s32 $0x1B8E;
	s24 =	sld [smem:$0x3FFE];
	[sflag:s23] =	ssyncadd.s32 $0xFFFFFFFF  }
0xa5: {  	s26 =	simm.s32 $execute0_lowered;
	[smem:$0x3FD2] =	sst s25  }
0xa6: {  	s5 =	sshll.u32 s26, $0x1;
	_ =	strace $0x80000046;
	[dreg:$0x1] =	wrdreg $0xFFFFFFFF  }
0xa7: {  	s28 =	simm.s32 $_size_execute0_lowered;
	s3 =	sadd.s32 s3, s5;
	[dreg:$0x0] =	wrdreg $0x0  }
0xa8: {  	s5 =	sshll.u32 s28, $0x1;
	[dreg:$0x2] =	wrdreg s3  }
0xa9: {  	[dreg:$0x3] =	wrdreg s5  }
0xaa: {  	[dreg:$0x4] =	wrdreg $0xC0  }
0xab: {  	_ =	task [dreg:s7], $0x5FFFF  }
0xac: {  	[dreg:$0x1] =	wrdreg $0xFFFFFFFF  }
0xad: {  	[dreg:$0x0] =	wrdreg $0x60  }
0xae: {  	[dreg:$0x2] =	wrdreg s24  }
0xaf: {  	[dreg:$0x3] =	wrdreg s2  }
0xb0: {  	[dreg:$0x4] =	wrdreg $0x9  }
0xb1: {  	_ =	task.clear_ibuf [dreg:s7], $0x5FFFF;
	_ =	strace $0x90000046  }
0xb2: {  	s29 =	simm.s32 $0x9;
	_ =	strace $0x80000048  }
0xb3: {  	_ =	swait.ge [sflag:s29], $0x1  }
0xb4: {  	[sflag:s29] =	ssyncadd.s32 $0xFFFFFFFF  }
0xb5: {  	_ =	strace $0x90000048  }
0xb6: {  	_ =	sfence  }
0xb7: {  	s30 =	sld [smem:$0x0];
	_ =	sdelay $0x2  }
0xb8: {  	s31 =	sshll.u32 s1, $0xD;
	s1 =	sshrl.u32 s1, $0x2  }
0xb9: {  	s3 =	sand.u32 $0x4000, s31;
	s1 =	sadd.s32 s1, s30  }
0xba: {  	s0 =	sor.u32 s3, s0;
	s1 =	sshll.u32 s1, $0x11  }
0xbb: {  	s0 =	sor.u32 s1, s0  }
0xbc: {  	s0 =	sadd.s32 $0x8F2B, s0  }
0xbd: {  	[sflag:s0] =	ssyncadd.remote.s32 $0x1  }
0xbe: {  	_ =	sfence.sel $0xFFFF  }
0xbf: {  	[dreg:$0x0] =	wrdreg $0xFFFFFFFF;
	(pc) =	sbr.abs _section_cstart, $3  }
0xc0: {  	[dreg:$0x1] =	wrdreg $0xFFFFFFFF  }
0xc1: {  	_ =	task.clear_ibuf [dreg:s7], $0x2FFFF;
	_ =	strace $0x9FFFFFFF  }
0xc2: {  	(tm) =	ssettm $0x7FFFFFFF  }
0xc3: {  	_ =	shalt  }
tec
execute0_lowered:
.L_overlay_start_1:
0x0: {  	(tag) =	ssettag $0x1  }
0x1: {  	s0 =	srdreg.scid;
	s8 =	stileid.u32  }
0x2: {  	s0 =	sand.u32 $0x1, s0;
	s3 =	sshll.u32 s8, $0x1  }
0x3: {  	s4 =	sor.u32 s0, s3  }
0x4: {  	s5 =	smul.u32 $0xA00, s4  }
0x5: {  	s1 =	rddreg [dreg:$0x0];
	s4 =	smul.u32 $0x271000, s4  }
0x6: {  	s2 =	rddreg [dreg:$0x1];
	s5 =	sshrl.u32 s5, $0x3  }
0x7: {  	s3 =	simm.s32 $0x0;
	s4 =	sshrl.u32 s4, $0x3;
	s1 =	sadd.s32 s5, s1  }
0x8: {  	[smem:$0x7FF] =	sst s3;
	s4 =	sadd.s32 s2, s4;
	s1 =	sadd.s32 $0x800, s1  }
0x9: {  	_ =	strace $0x80000047;
	s9 =	sadd.s32 $0x2710, s4;
	[dreg:$0x3] =	wrdreg s1  }
0xa: {  	s10 =	sadd.s32 $0x4E20, s4;
	[dreg:$0x4] =	wrdreg s9  }
0xb: {  	s11 =	sadd.s32 $0x7530, s4;
	[dreg:$0x5] =	wrdreg s10  }
0xc: {  	s12 =	sadd.s32 $0x9C40, s4;
	[dreg:$0x6] =	wrdreg s11  }
0xd: {  	s13 =	sadd.s32 $0xC350, s4;
	[dreg:$0x7] =	wrdreg s12  }
0xe: {  	s14 =	sadd.s32 $0xEA60, s4;
	[dreg:$0x8] =	wrdreg s13  }
0xf: {  	s15 =	sadd.s32 $0x11170, s4;
	[dreg:$0x9] =	wrdreg s14  }
0x10: {  	s19 =	smul.u32 $0x1400, s8;
	s16 =	sadd.s32 $0x13880, s4;
	[dreg:$0xa] =	wrdreg s15  }
0x11: {  	s6 =	ssub.s32 $0x2, s0;
	s17 =	sadd.s32 $0x15F90, s4;
	[dreg:$0xb] =	wrdreg s16  }
0x12: {  	s0 =	smul.u32 $0xA00, s0;
	s18 =	sadd.s32 $0x186A0, s4;
	[dreg:$0xc] =	wrdreg s17  }
0x13: {  	s7 =	sshrl.u32 s6, $0x1;
	s20 =	sadd.s32 $0x1ADB0, s4;
	[dreg:$0xd] =	wrdreg s18  }
0x14: {  	s7 =	ssub.s32 s6, s7;
	s21 =	sadd.s32 $0x1D4C0, s4;
	[dreg:$0xe] =	wrdreg s20  }
0x15: {  	s22 =	sadd.s32 $0x1FBD0, s4;
	s23 =	sadd.s32 $0x222E0, s4;
	[dreg:$0xf] =	wrdreg s21  }
0x16: {  	s24 =	sadd.s32 $0x249F0, s4;
	s25 =	sadd.s32 $0x27100, s4;
	[dreg:$0x10] =	wrdreg s22  }
0x17: {  	s26 =	sadd.s32 $0x29810, s4;
	s28 =	sadd.s32 $0x30D40, s4;
	[dreg:$0x11] =	wrdreg s23  }
0x18: {  	s29 =	sadd.s32 $0x33450, s4;
	s30 =	sadd.s32 $0x35B60, s4;
	[dreg:$0x12] =	wrdreg s24  }
0x19: {  	s31 =	sadd.s32 $0x38270, s4;
	s5 =	sadd.s32 $0x3F7A0, s4;
	[dreg:$0x13] =	wrdreg s25  }
0x1a: {  	s6 =	sadd.s32 $0x41EB0, s4;
	s8 =	sadd.s32 $0x46CD0, s4;
	[dreg:$0x14] =	wrdreg s26  }
0x1b: {  	s23 =	sadd.s32 s0, s19;
	s24 =	sadd.s32 $0x2BF20, s4;
	s25 =	smax.u32 s7, $0x1  }
0x1c: {  	s26 =	sadd.s32 $0x2E630, s4;
	s1 =	sadd.s32 $0x3A980, s4;
	s0 =	sadd.s32 $0x3D090, s4  }
0x1d: {  	s7 =	sadd.s32 $0x445C0, s4;
	s9 =	sadd.s32 $0x493E0, s4;
	s10 =	sadd.s32 $0x4BAF0, s4  }
0x1e: {  	v2 =	vlaneseq.u32;
	s11 =	simm.s32 $0x3;
	s12 =	simm.s32 $0x1;
	s13 =	simm.s32 $0x80  }
0x1f: {  	v0 =	vimm.f32 $0.0e+00;
	v1 =	vimm.f32 $5.000000000e+00;
	v2 =	vmul.u32 $0x3E8, v2;
	s14 =	simm.s32 $0x14E80;
	s15 =	simm.s32 $0x2;
	s16 =	simm.s32 $0x0  }
.LBB2_1:
0x20: {  	s17 =	simm.s32 $0x0;
	s18 =	simm.s32 $0x200  }
.LBB2_2:
0x21: {  	p0 =	sne.s32 s18, $0x4E000;
	[tilespmem:s17+$0x70] =	vst v0  }
0x22: {  	[tilespmem:s17+$0x0] =	vst v0  }
0x23: {  	[tilespmem:s17+$0x10] =	vst v0  }
.Ltmp0:
0x24: {  	[tilespmem:s17+$0x20] =	vst v0;
	(pc) =	sbr.rel @p0 .LBB2_2-.Ltmp0, $4  }
0x25: {  	[tilespmem:s17+$0x30] =	vst v0  }
0x26: {  	[tilespmem:s17+$0x40] =	vst v0  }
0x27: {  	[tilespmem:s17+$0x50] =	vst v0  }
0x28: {  	[tilespmem:s17+$0x60] =	vst v0;
	s17 =	sshra.s32 s18, $0x2;
	s18 =	sadd.s32 $0x200, s18  }
0x29: {  	[tilespmem:s17+$0x70] =	vst v0  }
0x2a: {  	[tilespmem:s17+$0x0] =	vst v0  }
0x2b: {  	[tilespmem:s17+$0x10] =	vst v0  }
0x2c: {  	[tilespmem:s17+$0x20] =	vst v0  }
0x2d: {  	[tilespmem:s17+$0x30] =	vst v0  }
0x2e: {  	[tilespmem:s17+$0x40] =	vst v0  }
0x2f: {  	[tilespmem:s17+$0x50] =	vst v0  }
0x30: {  	[tilespmem:s17+$0x60] =	vst v0;
	s17 =	simm.s32 $0x0;
	s18 =	rddreg [dreg:$0x3];
	s19 =	simm.s32 $0x13880  }
0x31: {  	[tilespmem:s19], [sflag:$0x3] =	stream.linear.gather [hbm4b:s18+s17], $0xA00, $0x38;
	[tilespmem:$0x14F00] =	vst v63  }
0x32: {  	_ =	swait.ge [sflag:s11], $0xA00  }
0x33: {  	[sflag:s11] =	ssyncset.done $0x0  }
0x34: {  	[sflag:s11] =	ssyncadd.s32 $0xFFFFF600  }
0x35: {  	[tilespmem:$0x14E80] =	vst v1  }
0x36: {  	[tilespmem:$0x14E90] =	vst v1  }
0x37: {  	[tilespmem:$0x14EA0] =	vst v1  }
0x38: {  	[tilespmem:$0x14EB0] =	vst v1  }
0x39: {  	[tilespmem:$0x14EC0] =	vst v1  }
0x3a: {  	[tilespmem:$0x14ED0] =	vst v1  }
0x3b: {  	s20 =	simm.s32 $0x0;
	[tilespmem:$0x14EE0] =	vst v1  }
0x3c: {  	s21 =	sadd.s32 $0x0, s23;
	s19 =	simm.s32 $0x40;
	s18 =	simm.s32 $0x0;
	[tilespmem:$0x14EF0] =	vst v1  }
.LBB2_4:
0x3d: {  	p0 =	sne.s32 s19, $0x27C0;
	v3 =	vld [tilespmem:s20+$0x13880];
	v4 =	vmov s21  }
0x3e: {  	v4 =	vmul.u32 $0x3E8, v4;
	_ =	sdelay $0x1  }
.Ltmp1:
0x3f: {  	v4 =	vbroadcast v4, $0x0;
	(pc) =	sbr.rel @p0 .LBB2_4-.Ltmp1, $4  }
0x40: {  	s20 =	sand.u32 $0x3E00, s17;
	s17 =	smov.u32 s19  }
0x41: {  	s21 =	sand.u32 $0x70, s18;
	s20 =	sshrl.u32 s20, $0x2;
	v3 =	vadd.s32 v3, v4  }
0x42: {  	s18 =	sadd.s32 $0x10, s18;
	s22 =	sor.u32 s21, s20;
	v3 =	vadd.s32 v2, v3  }
0x43: {  	s19 =	sadd.s32 $0x40, s19;
	s20 =	sshra.s32 s17, $0x2;
	s21 =	sadd.s32 s18, s23;
	[tilespmem:s22+$0x14280] =	vst v3  }
0x44: {  	v3 =	vld [tilespmem:s20+$0x13880];
	v4 =	vmov s21  }
0x45: {  	v4 =	vmul.u32 $0x3E8, v4;
	_ =	sdelay $0x1  }
0x46: {  	v4 =	vbroadcast v4, $0x0  }
0x47: {  	s17 =	sand.u32 $0x3E00, s17  }
0x48: {  	s18 =	sand.u32 $0x70, s18;
	s17 =	sshrl.u32 s17, $0x2;
	v3 =	vadd.s32 v3, v4  }
0x49: {  	s17 =	sor.u32 s18, s17;
	v3 =	vadd.s32 v2, v3  }
0x4a: {  	[tilespmem:s17+$0x14280] =	vst v3  }
0x4b: {  	[hbm4b:s4+s3] =	stream.linear.scatter [tilespmem:s3], [sflag:$0x1], $0x13880, $0x38;
	[tilespmem:$0x14F00] =	vst v63  }
0x4c: {  	s21 =	rddreg [dreg:$0x4]  }
0x4d: {  	[hbm4b:s21+s3] =	stream.linear.scatter [tilespmem:s3], [sflag:$0x1], $0x13880, $0x38;
	[tilespmem:$0x14F00] =	vst v63  }
0x4e: {  	s22 =	rddreg [dreg:$0x5]  }
0x4f: {  	[hbm4b:s22+s3] =	stream.linear.scatter [tilespmem:s3], [sflag:$0x1], $0x13880, $0x38;
	[tilespmem:$0x14F00] =	vst v63  }
0x50: {  	s18 =	rddreg [dreg:$0x6]  }
0x51: {  	[hbm4b:s18+s3] =	stream.linear.scatter [tilespmem:s3], [sflag:$0x1], $0x13880, $0x38;
	[tilespmem:$0x14F00] =	vst v63  }
0x52: {  	s19 =	rddreg [dreg:$0x7]  }
0x53: {  	[hbm4b:s19+s3] =	stream.linear.scatter [tilespmem:s3], [sflag:$0x1], $0x13880, $0x38;
	[tilespmem:$0x14F00] =	vst v63  }
0x54: {  	s20 =	rddreg [dreg:$0x8]  }
0x55: {  	[hbm4b:s20+s3] =	stream.linear.scatter [tilespmem:s3], [sflag:$0x1], $0x13880, $0x38;
	[tilespmem:$0x14F00] =	vst v63  }
0x56: {  	s21 =	rddreg [dreg:$0x9]  }
0x57: {  	[hbm4b:s21+s3] =	stream.linear.scatter [tilespmem:s3], [sflag:$0x1], $0x13880, $0x38;
	[tilespmem:$0x14F00] =	vst v63  }
0x58: {  	s22 =	rddreg [dreg:$0xa]  }
0x59: {  	[hbm4b:s22+s3] =	stream.linear.scatter [tilespmem:s3], [sflag:$0x1], $0x13880, $0x38;
	[tilespmem:$0x14F00] =	vst v63  }
0x5a: {  	s18 =	rddreg [dreg:$0xb]  }
0x5b: {  	[hbm4b:s18+s3] =	stream.linear.scatter [tilespmem:s3], [sflag:$0x1], $0x13880, $0x38;
	[tilespmem:$0x14F00] =	vst v63  }
0x5c: {  	s19 =	rddreg [dreg:$0xc]  }
0x5d: {  	[hbm4b:s19+s3] =	stream.linear.scatter [tilespmem:s3], [sflag:$0x1], $0x13880, $0x38;
	[tilespmem:$0x14F00] =	vst v63  }
0x5e: {  	s20 =	rddreg [dreg:$0xd]  }
0x5f: {  	[hbm4b:s20+s3] =	stream.linear.scatter [tilespmem:s3], [sflag:$0x1], $0x13880, $0x38;
	[tilespmem:$0x14F00] =	vst v63  }
0x60: {  	s21 =	rddreg [dreg:$0xe]  }
0x61: {  	[hbm4b:s21+s3] =	stream.linear.scatter [tilespmem:s3], [sflag:$0x1], $0x13880, $0x38;
	[tilespmem:$0x14F00] =	vst v63  }
0x62: {  	s22 =	rddreg [dreg:$0xf]  }
0x63: {  	[hbm4b:s22+s3] =	stream.linear.scatter [tilespmem:s3], [sflag:$0x1], $0x13880, $0x38;
	[tilespmem:$0x14F00] =	vst v63  }
0x64: {  	s18 =	rddreg [dreg:$0x10]  }
0x65: {  	[hbm4b:s18+s3] =	stream.linear.scatter [tilespmem:s3], [sflag:$0x1], $0x13880, $0x38;
	[tilespmem:$0x14F00] =	vst v63  }
0x66: {  	s19 =	rddreg [dreg:$0x11]  }
0x67: {  	[hbm4b:s19+s3] =	stream.linear.scatter [tilespmem:s3], [sflag:$0x1], $0x13880, $0x38;
	[tilespmem:$0x14F00] =	vst v63  }
0x68: {  	s20 =	rddreg [dreg:$0x12]  }
0x69: {  	[hbm4b:s20+s3] =	stream.linear.scatter [tilespmem:s3], [sflag:$0x1], $0x13880, $0x38;
	[tilespmem:$0x14F00] =	vst v63  }
0x6a: {  	s21 =	rddreg [dreg:$0x13]  }
0x6b: {  	[hbm4b:s21+s3] =	stream.linear.scatter [tilespmem:s3], [sflag:$0x1], $0x13880, $0x38;
	[tilespmem:$0x14F00] =	vst v63  }
0x6c: {  	s22 =	rddreg [dreg:$0x14]  }
0x6d: {  	[hbm4b:s22+s3] =	stream.linear.scatter [tilespmem:s3], [sflag:$0x1], $0x13880, $0x38;
	[tilespmem:$0x14F00] =	vst v63  }
0x6e: {  	_ = 	snop  }
0x6f: {  	[hbm4b:s24+s3] =	stream.linear.scatter [tilespmem:s3], [sflag:$0x1], $0x13880, $0x38;
	[tilespmem:$0x14F00] =	vst v63  }
0x70: {  	_ = 	snop  }
0x71: {  	[hbm4b:s26+s3] =	stream.linear.scatter [tilespmem:s3], [sflag:$0x1], $0x13880, $0x38;
	[tilespmem:$0x14F00] =	vst v63  }
0x72: {  	_ = 	snop  }
0x73: {  	[hbm4b:s28+s3] =	stream.linear.scatter [tilespmem:s3], [sflag:$0x1], $0x13880, $0x38;
	[tilespmem:$0x14F00] =	vst v63  }
0x74: {  	_ = 	snop  }
0x75: {  	[hbm4b:s29+s3] =	stream.linear.scatter [tilespmem:s3], [sflag:$0x1], $0x13880, $0x38;
	[tilespmem:$0x14F00] =	vst v63  }
0x76: {  	_ = 	snop  }
0x77: {  	[hbm4b:s30+s3] =	stream.linear.scatter [tilespmem:s3], [sflag:$0x1], $0x13880, $0x38;
	[tilespmem:$0x14F00] =	vst v63  }
0x78: {  	_ = 	snop  }
0x79: {  	[hbm4b:s31+s3] =	stream.linear.scatter [tilespmem:s3], [sflag:$0x1], $0x13880, $0x38;
	[tilespmem:$0x14F00] =	vst v63  }
0x7a: {  	_ = 	snop  }
0x7b: {  	[hbm4b:s1+s3] =	stream.linear.scatter [tilespmem:s3], [sflag:$0x1], $0x13880, $0x38;
	[tilespmem:$0x14F00] =	vst v63  }
0x7c: {  	_ = 	snop  }
0x7d: {  	[hbm4b:s0+s3] =	stream.linear.scatter [tilespmem:s3], [sflag:$0x1], $0x13880, $0x38;
	[tilespmem:$0x14F00] =	vst v63  }
0x7e: {  	_ = 	snop  }
0x7f: {  	[hbm4b:s5+s3] =	stream.linear.scatter [tilespmem:s3], [sflag:$0x1], $0x13880, $0x38;
	[tilespmem:$0x14F00] =	vst v63  }
0x80: {  	_ = 	snop  }
0x81: {  	[hbm4b:s6+s3] =	stream.linear.scatter [tilespmem:s3], [sflag:$0x1], $0x13880, $0x38;
	[tilespmem:$0x14F00] =	vst v63  }
0x82: {  	_ = 	snop  }
0x83: {  	[hbm4b:s7+s3] =	stream.linear.scatter [tilespmem:s3], [sflag:$0x1], $0x13880, $0x38;
	[tilespmem:$0x14F00] =	vst v63  }
0x84: {  	_ = 	snop  }
0x85: {  	[hbm4b:s8+s3] =	stream.linear.scatter [tilespmem:s3], [sflag:$0x1], $0x13880, $0x38;
	[tilespmem:$0x14F00] =	vst v63  }
0x86: {  	_ = 	snop  }
0x87: {  	[hbm4b:s9+s3] =	stream.linear.scatter [tilespmem:s3], [sflag:$0x1], $0x13880, $0x38;
	[tilespmem:$0x14F00] =	vst v63  }
0x88: {  	_ = 	snop  }
0x89: {  	[hbm4b:s10+s3] =	stream.linear.scatter [tilespmem:s3], [sflag:$0x1], $0x13880, $0x38;
	[tilespmem:$0x14F00] =	vst v63  }
0x8a: {  	_ =	swait.ge [sflag:s12], $0x13880  }
0x8b: {  	[sflag:s12] =	ssyncset.done $0x0  }
0x8c: {  	[sflag:s12] =	ssyncadd.s32 $0xFFFEC780  }
0x8d: {  	_ =	swait.ge [sflag:s12], $0x13880  }
0x8e: {  	[sflag:s12] =	ssyncset.done $0x0  }
0x8f: {  	[sflag:s12] =	ssyncadd.s32 $0xFFFEC780  }
0x90: {  	_ =	swait.ge [sflag:s12], $0x13880  }
0x91: {  	[sflag:s12] =	ssyncset.done $0x0  }
0x92: {  	[sflag:s12] =	ssyncadd.s32 $0xFFFEC780  }
0x93: {  	_ =	swait.ge [sflag:s12], $0x13880  }
0x94: {  	[sflag:s12] =	ssyncset.done $0x0  }
0x95: {  	[sflag:s12] =	ssyncadd.s32 $0xFFFEC780  }
0x96: {  	_ =	swait.ge [sflag:s12], $0x13880  }
0x97: {  	[sflag:s12] =	ssyncset.done $0x0  }
0x98: {  	[sflag:s12] =	ssyncadd.s32 $0xFFFEC780  }
0x99: {  	_ =	swait.ge [sflag:s12], $0x13880  }
0x9a: {  	[sflag:s12] =	ssyncset.done $0x0  }
0x9b: {  	[sflag:s12] =	ssyncadd.s32 $0xFFFEC780  }
0x9c: {  	_ =	swait.ge [sflag:s12], $0x13880  }
0x9d: {  	[sflag:s12] =	ssyncset.done $0x0  }
0x9e: {  	[sflag:s12] =	ssyncadd.s32 $0xFFFEC780  }
0x9f: {  	_ =	swait.ge [sflag:s12], $0x13880  }
0xa0: {  	[sflag:s12] =	ssyncset.done $0x0  }
0xa1: {  	[sflag:s12] =	ssyncadd.s32 $0xFFFEC780  }
0xa2: {  	_ =	swait.ge [sflag:s12], $0x13880  }
0xa3: {  	[sflag:s12] =	ssyncset.done $0x0  }
0xa4: {  	[sflag:s12] =	ssyncadd.s32 $0xFFFEC780  }
0xa5: {  	_ =	swait.ge [sflag:s12], $0x13880  }
0xa6: {  	[sflag:s12] =	ssyncset.done $0x0  }
0xa7: {  	[sflag:s12] =	ssyncadd.s32 $0xFFFEC780  }
0xa8: {  	_ =	swait.ge [sflag:s12], $0x13880  }
0xa9: {  	[sflag:s12] =	ssyncset.done $0x0  }
0xaa: {  	[sflag:s12] =	ssyncadd.s32 $0xFFFEC780  }
0xab: {  	_ =	swait.ge [sflag:s12], $0x13880  }
0xac: {  	[sflag:s12] =	ssyncset.done $0x0  }
0xad: {  	[sflag:s12] =	ssyncadd.s32 $0xFFFEC780  }
0xae: {  	_ =	swait.ge [sflag:s12], $0x13880  }
0xaf: {  	[sflag:s12] =	ssyncset.done $0x0  }
0xb0: {  	[sflag:s12] =	ssyncadd.s32 $0xFFFEC780  }
0xb1: {  	_ =	swait.ge [sflag:s12], $0x13880  }
0xb2: {  	[sflag:s12] =	ssyncset.done $0x0  }
0xb3: {  	[sflag:s12] =	ssyncadd.s32 $0xFFFEC780  }
0xb4: {  	_ =	swait.ge [sflag:s12], $0x13880  }
0xb5: {  	[sflag:s12] =	ssyncset.done $0x0  }
0xb6: {  	[sflag:s12] =	ssyncadd.s32 $0xFFFEC780  }
0xb7: {  	_ =	swait.ge [sflag:s12], $0x13880  }
0xb8: {  	[sflag:s12] =	ssyncset.done $0x0  }
0xb9: {  	[sflag:s12] =	ssyncadd.s32 $0xFFFEC780  }
0xba: {  	_ =	swait.ge [sflag:s12], $0x13880  }
0xbb: {  	[sflag:s12] =	ssyncset.done $0x0  }
0xbc: {  	[sflag:s12] =	ssyncadd.s32 $0xFFFEC780  }
0xbd: {  	_ =	swait.ge [sflag:s12], $0x13880  }
0xbe: {  	[sflag:s12] =	ssyncset.done $0x0  }
0xbf: {  	[sflag:s12] =	ssyncadd.s32 $0xFFFEC780  }
0xc0: {  	_ =	swait.ge [sflag:s12], $0x13880  }
0xc1: {  	[sflag:s12] =	ssyncset.done $0x0  }
0xc2: {  	[sflag:s12] =	ssyncadd.s32 $0xFFFEC780  }
0xc3: {  	_ =	swait.ge [sflag:s12], $0x13880  }
0xc4: {  	[sflag:s12] =	ssyncset.done $0x0  }
0xc5: {  	[sflag:s12] =	ssyncadd.s32 $0xFFFEC780  }
0xc6: {  	_ =	swait.ge [sflag:s12], $0x13880  }
0xc7: {  	[sflag:s12] =	ssyncset.done $0x0  }
0xc8: {  	[sflag:s12] =	ssyncadd.s32 $0xFFFEC780  }
0xc9: {  	_ =	swait.ge [sflag:s12], $0x13880  }
0xca: {  	[sflag:s12] =	ssyncset.done $0x0  }
0xcb: {  	[sflag:s12] =	ssyncadd.s32 $0xFFFEC780  }
0xcc: {  	_ =	swait.ge [sflag:s12], $0x13880  }
0xcd: {  	[sflag:s12] =	ssyncset.done $0x0  }
0xce: {  	[sflag:s12] =	ssyncadd.s32 $0xFFFEC780  }
0xcf: {  	_ =	swait.ge [sflag:s12], $0x13880  }
0xd0: {  	[sflag:s12] =	ssyncset.done $0x0  }
0xd1: {  	[sflag:s12] =	ssyncadd.s32 $0xFFFEC780  }
0xd2: {  	_ =	swait.ge [sflag:s12], $0x13880  }
0xd3: {  	[sflag:s12] =	ssyncset.done $0x0  }
0xd4: {  	[sflag:s12] =	ssyncadd.s32 $0xFFFEC780  }
0xd5: {  	_ =	swait.ge [sflag:s12], $0x13880  }
0xd6: {  	[sflag:s12] =	ssyncset.done $0x0  }
0xd7: {  	[sflag:s12] =	ssyncadd.s32 $0xFFFEC780  }
0xd8: {  	_ =	swait.ge [sflag:s12], $0x13880  }
0xd9: {  	[sflag:s12] =	ssyncset.done $0x0  }
0xda: {  	[sflag:s12] =	ssyncadd.s32 $0xFFFEC780  }
0xdb: {  	_ =	swait.ge [sflag:s12], $0x13880  }
0xdc: {  	[sflag:s12] =	ssyncset.done $0x0  }
0xdd: {  	[sflag:s12] =	ssyncadd.s32 $0xFFFEC780  }
0xde: {  	_ =	swait.ge [sflag:s12], $0x13880  }
0xdf: {  	[sflag:s12] =	ssyncset.done $0x0  }
0xe0: {  	[sflag:s12] =	ssyncadd.s32 $0xFFFEC780  }
0xe1: {  	_ =	swait.ge [sflag:s12], $0x13880  }
0xe2: {  	[sflag:s12] =	ssyncset.done $0x0  }
0xe3: {  	[sflag:s12] =	ssyncadd.s32 $0xFFFEC780  }
0xe4: {  	_ =	swait.ge [sflag:s12], $0x13880  }
0xe5: {  	[sflag:s12] =	ssyncset.done $0x0  }
0xe6: {  	[sflag:s12] =	ssyncadd.s32 $0xFFFEC780  }
0xe7: {  	_ =	swait.ge [sflag:s12], $0x13880  }
0xe8: {  	[sflag:s12] =	ssyncset.done $0x0  }
0xe9: {  	s18 =	simm.s32 $0x14280;
	[sflag:s12] =	ssyncadd.s32 $0xFFFEC780  }
0xea: {  	[hbm4b:s2+s13] =	stream.indirect.scatter [tilespmem:s14], [sflag:$0x2], $0x1, s18, s13, $0xb8;
	[tilespmem:$0x14F00] =	vst v63  }
0xeb: {  	s19 =	simm.s32 $0x14300  }
0xec: {  	[hbm4b:s2+s13] =	stream.indirect.scatter [tilespmem:s14], [sflag:$0x2], $0x1, s19, s13, $0xb8;
	[tilespmem:$0x14F00] =	vst v63  }
0xed: {  	s20 =	simm.s32 $0x14380  }
0xee: {  	[hbm4b:s2+s13] =	stream.indirect.scatter [tilespmem:s14], [sflag:$0x2], $0x1, s20, s13, $0xb8;
	[tilespmem:$0x14F00] =	vst v63  }
0xef: {  	s21 =	simm.s32 $0x14400  }
0xf0: {  	[hbm4b:s2+s13] =	stream.indirect.scatter [tilespmem:s14], [sflag:$0x2], $0x1, s21, s13, $0xb8;
	[tilespmem:$0x14F00] =	vst v63  }
0xf1: {  	s22 =	simm.s32 $0x14480  }
0xf2: {  	[hbm4b:s2+s13] =	stream.indirect.scatter [tilespmem:s14], [sflag:$0x2], $0x1, s22, s13, $0xb8;
	[tilespmem:$0x14F00] =	vst v63  }
0xf3: {  	s18 =	simm.s32 $0x14500  }
0xf4: {  	[hbm4b:s2+s13] =	stream.indirect.scatter [tilespmem:s14], [sflag:$0x2], $0x1, s18, s13, $0xb8;
	[tilespmem:$0x14F00] =	vst v63  }
0xf5: {  	s19 =	simm.s32 $0x14580  }
0xf6: {  	[hbm4b:s2+s13] =	stream.indirect.scatter [tilespmem:s14], [sflag:$0x2], $0x1, s19, s13, $0xb8;
	[tilespmem:$0x14F00] =	vst v63  }
0xf7: {  	s20 =	simm.s32 $0x14600  }
0xf8: {  	[hbm4b:s2+s13] =	stream.indirect.scatter [tilespmem:s14], [sflag:$0x2], $0x1, s20, s13, $0xb8;
	[tilespmem:$0x14F00] =	vst v63  }
0xf9: {  	s21 =	simm.s32 $0x14680  }
0xfa: {  	[hbm4b:s2+s13] =	stream.indirect.scatter [tilespmem:s14], [sflag:$0x2], $0x1, s21, s13, $0xb8;
	[tilespmem:$0x14F00] =	vst v63  }
0xfb: {  	s22 =	simm.s32 $0x14700  }
0xfc: {  	[hbm4b:s2+s13] =	stream.indirect.scatter [tilespmem:s14], [sflag:$0x2], $0x1, s22, s13, $0xb8;
	[tilespmem:$0x14F00] =	vst v63  }
0xfd: {  	s18 =	simm.s32 $0x14780  }
0xfe: {  	[hbm4b:s2+s13] =	stream.indirect.scatter [tilespmem:s14], [sflag:$0x2], $0x1, s18, s13, $0xb8;
	[tilespmem:$0x14F00] =	vst v63  }
0xff: {  	s19 =	simm.s32 $0x14800  }
0x100: {  	[hbm4b:s2+s13] =	stream.indirect.scatter [tilespmem:s14], [sflag:$0x2], $0x1, s19, s13, $0xb8;
	[tilespmem:$0x14F00] =	vst v63  }
0x101: {  	s20 =	simm.s32 $0x14880  }
0x102: {  	[hbm4b:s2+s13] =	stream.indirect.scatter [tilespmem:s14], [sflag:$0x2], $0x1, s20, s13, $0xb8;
	[tilespmem:$0x14F00] =	vst v63  }
0x103: {  	s21 =	simm.s32 $0x14900  }
0x104: {  	[hbm4b:s2+s13] =	stream.indirect.scatter [tilespmem:s14], [sflag:$0x2], $0x1, s21, s13, $0xb8;
	[tilespmem:$0x14F00] =	vst v63  }
0x105: {  	s22 =	simm.s32 $0x14980  }
0x106: {  	[hbm4b:s2+s13] =	stream.indirect.scatter [tilespmem:s14], [sflag:$0x2], $0x1, s22, s13, $0xb8;
	[tilespmem:$0x14F00] =	vst v63  }
0x107: {  	s18 =	simm.s32 $0x14A00  }
0x108: {  	[hbm4b:s2+s13] =	stream.indirect.scatter [tilespmem:s14], [sflag:$0x2], $0x1, s18, s13, $0xb8;
	[tilespmem:$0x14F00] =	vst v63  }
0x109: {  	s19 =	simm.s32 $0x14A80  }
0x10a: {  	[hbm4b:s2+s13] =	stream.indirect.scatter [tilespmem:s14], [sflag:$0x2], $0x1, s19, s13, $0xb8;
	[tilespmem:$0x14F00] =	vst v63  }
0x10b: {  	s20 =	simm.s32 $0x14B00  }
0x10c: {  	[hbm4b:s2+s13] =	stream.indirect.scatter [tilespmem:s14], [sflag:$0x2], $0x1, s20, s13, $0xb8;
	[tilespmem:$0x14F00] =	vst v63  }
0x10d: {  	s21 =	simm.s32 $0x14B80  }
0x10e: {  	[hbm4b:s2+s13] =	stream.indirect.scatter [tilespmem:s14], [sflag:$0x2], $0x1, s21, s13, $0xb8;
	[tilespmem:$0x14F00] =	vst v63  }
0x10f: {  	s22 =	simm.s32 $0x14C00  }
0x110: {  	[hbm4b:s2+s13] =	stream.indirect.scatter [tilespmem:s14], [sflag:$0x2], $0x1, s22, s13, $0xb8;
	[tilespmem:$0x14F00] =	vst v63  }
0x111: {  	_ =	swait.ge [sflag:s15], $0x80  }
0x112: {  	[sflag:s15] =	ssyncset.done $0x0  }
0x113: {  	[sflag:s15] =	ssyncadd.s32 $0xFFFFFF80  }
0x114: {  	_ =	swait.ge [sflag:s15], $0x80  }
0x115: {  	[sflag:s15] =	ssyncset.done $0x0  }
0x116: {  	[sflag:s15] =	ssyncadd.s32 $0xFFFFFF80  }
0x117: {  	_ =	swait.ge [sflag:s15], $0x80  }
0x118: {  	[sflag:s15] =	ssyncset.done $0x0  }
0x119: {  	[sflag:s15] =	ssyncadd.s32 $0xFFFFFF80  }
0x11a: {  	_ =	swait.ge [sflag:s15], $0x80  }
0x11b: {  	[sflag:s15] =	ssyncset.done $0x0  }
0x11c: {  	[sflag:s15] =	ssyncadd.s32 $0xFFFFFF80  }
0x11d: {  	_ =	swait.ge [sflag:s15], $0x80  }
0x11e: {  	[sflag:s15] =	ssyncset.done $0x0  }
0x11f: {  	[sflag:s15] =	ssyncadd.s32 $0xFFFFFF80  }
0x120: {  	_ =	swait.ge [sflag:s15], $0x80  }
0x121: {  	[sflag:s15] =	ssyncset.done $0x0  }
0x122: {  	[sflag:s15] =	ssyncadd.s32 $0xFFFFFF80  }
0x123: {  	_ =	swait.ge [sflag:s15], $0x80  }
0x124: {  	[sflag:s15] =	ssyncset.done $0x0  }
0x125: {  	[sflag:s15] =	ssyncadd.s32 $0xFFFFFF80  }
0x126: {  	_ =	swait.ge [sflag:s15], $0x80  }
0x127: {  	[sflag:s15] =	ssyncset.done $0x0  }
0x128: {  	[sflag:s15] =	ssyncadd.s32 $0xFFFFFF80  }
0x129: {  	_ =	swait.ge [sflag:s15], $0x80  }
0x12a: {  	[sflag:s15] =	ssyncset.done $0x0  }
0x12b: {  	[sflag:s15] =	ssyncadd.s32 $0xFFFFFF80  }
0x12c: {  	_ =	swait.ge [sflag:s15], $0x80  }
0x12d: {  	[sflag:s15] =	ssyncset.done $0x0  }
0x12e: {  	[sflag:s15] =	ssyncadd.s32 $0xFFFFFF80  }
0x12f: {  	_ =	swait.ge [sflag:s15], $0x80  }
0x130: {  	[sflag:s15] =	ssyncset.done $0x0  }
0x131: {  	[sflag:s15] =	ssyncadd.s32 $0xFFFFFF80  }
0x132: {  	_ =	swait.ge [sflag:s15], $0x80  }
0x133: {  	[sflag:s15] =	ssyncset.done $0x0  }
0x134: {  	[sflag:s15] =	ssyncadd.s32 $0xFFFFFF80  }
0x135: {  	_ =	swait.ge [sflag:s15], $0x80  }
0x136: {  	[sflag:s15] =	ssyncset.done $0x0  }
0x137: {  	[sflag:s15] =	ssyncadd.s32 $0xFFFFFF80  }
0x138: {  	_ =	swait.ge [sflag:s15], $0x80  }
0x139: {  	[sflag:s15] =	ssyncset.done $0x0  }
0x13a: {  	[sflag:s15] =	ssyncadd.s32 $0xFFFFFF80  }
0x13b: {  	_ =	swait.ge [sflag:s15], $0x80  }
0x13c: {  	[sflag:s15] =	ssyncset.done $0x0  }
0x13d: {  	[sflag:s15] =	ssyncadd.s32 $0xFFFFFF80  }
0x13e: {  	_ =	swait.ge [sflag:s15], $0x80  }
0x13f: {  	[sflag:s15] =	ssyncset.done $0x0  }
0x140: {  	[sflag:s15] =	ssyncadd.s32 $0xFFFFFF80  }
0x141: {  	_ =	swait.ge [sflag:s15], $0x80  }
0x142: {  	[sflag:s15] =	ssyncset.done $0x0  }
0x143: {  	[sflag:s15] =	ssyncadd.s32 $0xFFFFFF80  }
0x144: {  	_ =	swait.ge [sflag:s15], $0x80  }
0x145: {  	[sflag:s15] =	ssyncset.done $0x0  }
0x146: {  	s16 =	sadd.s32 $0x1, s16;
	[sflag:s15] =	ssyncadd.s32 $0xFFFFFF80  }
0x147: {  	p0 =	sne.s32 s16, s25;
	_ =	swait.ge [sflag:s15], $0x80  }
.Ltmp2:
0x148: {  	[sflag:s15] =	ssyncset.done $0x0;
	(pc) =	sbr.rel @p0 .LBB2_1-.Ltmp2, $4  }
0x149: {  	[sflag:s15] =	ssyncadd.s32 $0xFFFFFF80  }
0x14a: {  	_ =	swait.ge [sflag:s15], $0x80  }
0x14b: {  	[sflag:s15] =	ssyncset.done $0x0  }
0x14c: {  	[sflag:s15] =	ssyncadd.s32 $0xFFFFFF80  }
0x14d: {  	_ =	sfence.sel $0x180000  }
0x14e: {  	[bflag:$0x0] =	sbarrier.arrive $0xFFFF  }
0x14f: {  	_ =	strace $0x90000047  }
0x150: {  	s0 =	stileid.u32;
	[bflag:$0x2] =	sbarrier.arrive $0xFFFF  }
0x151: {  	p0 =	sne.s32 s0, $0x0;
	s0 =	rddreg [dreg:$0x2]  }
0x152: {  	s0 =	sadd.s32 @!p0 $0x100000, s0  }
0x153: {  	[sflag:s0] =	ssyncadd.tile.s32 @!p0 $0x1;
	_ =	shalt  }
.Lfunc_end2:
_tile_overlayer_lowered:
.L_overlay_start_2:
0x154: {  	(tag) =	ssettag $0x2  }
0x155: {  	s0 =	rddreg [dreg:$0x0];
	s2 =	stileid.u32  }
0x156: {  	s1 =	rddreg [dreg:$0x1];
	p0 =	sne.s32 s2, $0x0  }
0x157: {  	s3 =	rddreg [dreg:$0x2];
	[bflag:$0x3] =	sbarrier.arrive $0xFFFF;
	s2 =	simm.s32 @!p0 $0x1C03  }
0x158: {  	[timem:s3], [sflag:s2] =	dma.local @!p0 [hbm:s0], s1  }
0x159: {  	s0 =	simm.s32 @!p0 $0x3  }
0x15a: {  	_ =	swait.ge @!p0 [sflag:s0], s1  }
0x15b: {  	s1 =	ssub.s32 @!p0 $0x0, s1;
	[sflag:s0] =	ssyncset.done @!p0 $0x0  }
0x15c: {  	[sflag:s0] =	ssyncadd.s32 @!p0 s1  }
0x15d: {  	[bflag:$0x3] =	sbarrier.arrive $0xFFFF  }
0x15e: {  	_ =	shalt  }

// kernel: sparse-core-data-format-call.cloned.1.call-start
scs
called_computation_lowered:
.L_overlay_start_0:
0x0: {  	s2 =	sld [smem:$0x3FD9]  }
0x1: {  	s3 =	sld [smem:$0x3FFE];
	_ =	sdelay $0x1  }
0x2: {  	s1 =	srdreg.scid  }
0x3: {  	s0 =	sand.u32 $0x1, s1  }
0x4: {  	s18 =	sshll.u32 s0, $0xA;
	s2 =	sadd.s32 s3, s2  }
0x5: {  	s2 =	sadd.s32 s2, s18  }
0x6: {  	[smem:$0x3FC7] =	sst s2  }
0x7: {  	_ = 	snop  }
0x8: {  	s2 =	sld [smem:$0x3FD0];
	(tm) =	ssettm $0x1  }
0x9: {  	s19 =	sld [smem:$0x3FFB];
	_ =	sdelay $0x3  }
0xa: {  	_ =	strace s19  }
0xb: {  	s3 =	sld [smem:$0x3FFC];
	_ =	sdelay $0x3  }
0xc: {  	_ =	strace s3  }
0xd: {  	s3 =	sld [smem:$0x3FFD];
	_ =	sdelay $0x3  }
0xe: {  	_ =	strace s3  }
0xf: {  	_ =	strace $0x8FFFFFFF  }
0x10: {  	s20 =	sld [smem:$0x3FDB];
	_ =	sdelay $0x1  }
0x11: {  	s4 =	simm.s32 $_scs_section_size  }
0x12: {  	s5 =	simm.s32 $_size__tile_overlayer_lowered;
	s6 =	simm.s32 $_tile_overlayer_lowered  }
0x13: {  	s23 =	simm.s32 $0x1BFF;
	s22 =	sshll.u32 s6, $0x1;
	s3 =	sadd.s32 s4, s20  }
0x14: {  	s7 =	simm.s32 $0x0;
	s21 =	sshll.u32 s5, $0x1;
	s5 =	sadd.s32 s22, s3  }
0x15: {  	[timem:s7], [sflag:s23] =	dma.local [hbm:s5], s21  }
0x16: {  	_ =	swait.ge [sflag:s23], s21  }
0x17: {  	s4 =	ssub.s32 $0x0, s21;
	[sflag:s23] =	ssyncset.done $0x0  }
0x18: {  	[sflag:s23] =	ssyncadd.s32 s4;
	_ =	sdelay $0x1  }
0x19: {  	s24 =	simm.s32 $0x1B8B  }
0x1a: {  	_ =	swait.ge [sflag:s24], $0x1  }
0x1b: {  	[sflag:s24] =	ssyncset.done $0x0  }
0x1c: {  	s26 =	simm.s32 $0x1B8E;
	s25 =	sld [smem:$0x3FFE];
	[sflag:s24] =	ssyncadd.s32 $0xFFFFFFFF  }
0x1d: {  	s27 =	simm.s32 $execute0_lowered;
	[smem:$0x3FD2] =	sst s26  }
0x1e: {  	s5 =	sshll.u32 s27, $0x1;
	_ =	strace $0x80000049;
	[dreg:$0x1] =	wrdreg $0xFFFFFFFF  }
0x1f: {  	s28 =	simm.s32 $_size_execute0_lowered;
	s3 =	sadd.s32 s3, s5;
	[dreg:$0x0] =	wrdreg $0x0  }
0x20: {  	s5 =	sshll.u32 s28, $0x1;
	[dreg:$0x2] =	wrdreg s3  }
0x21: {  	[dreg:$0x3] =	wrdreg s5  }
0x22: {  	[dreg:$0x4] =	wrdreg $0xC0  }
0x23: {  	_ =	task [dreg:s7], $0x5FFFF  }
0x24: {  	[dreg:$0x1] =	wrdreg $0xFFFFFFFF  }
0x25: {  	[dreg:$0x0] =	wrdreg $0x60  }
0x26: {  	[dreg:$0x2] =	wrdreg s25  }
0x27: {  	[dreg:$0x3] =	wrdreg s2  }
0x28: {  	[dreg:$0x4] =	wrdreg $0x9  }
0x29: {  	_ =	task.clear_ibuf [dreg:s7], $0x5FFFF;
	_ =	strace $0x90000049  }
0x2a: {  	s29 =	simm.s32 $0x9;
	_ =	strace $0x8000004B  }
0x2b: {  	_ =	swait.ge [sflag:s29], $0x1  }
0x2c: {  	[sflag:s29] =	ssyncadd.s32 $0xFFFFFFFF  }
0x2d: {  	_ =	strace $0x9000004B  }
0x2e: {  	_ =	sfence  }
0x2f: {  	s30 =	sld [smem:$0x0];
	_ =	sdelay $0x2  }
0x30: {  	s31 =	sshll.u32 s1, $0xD;
	s1 =	sshrl.u32 s1, $0x2  }
0x31: {  	s3 =	sand.u32 $0x4000, s31;
	s1 =	sadd.s32 s1, s30  }
0x32: {  	s0 =	sor.u32 s3, s0;
	s1 =	sshll.u32 s1, $0x11  }
0x33: {  	s0 =	sor.u32 s1, s0  }
0x34: {  	s0 =	sadd.s32 $0x8F2B, s0  }
0x35: {  	[sflag:s0] =	ssyncadd.remote.s32 $0x1  }
0x36: {  	_ =	sfence.sel $0xFFFF  }
0x37: {  	[dreg:$0x0] =	wrdreg $0xFFFFFFFF;
	(pc) =	sbr.abs _section_cstart, $3  }
0x38: {  	[dreg:$0x1] =	wrdreg $0xFFFFFFFF  }
0x39: {  	_ =	task.clear_ibuf [dreg:s7], $0x2FFFF;
	_ =	strace $0x9FFFFFFF  }
0x3a: {  	(tm) =	ssettm $0x7FFFFFFF  }
0x3b: {  	_ =	shalt  }
tec
execute0_lowered:
.L_overlay_start_1:
0x0: {  	(tag) =	ssettag $0x1  }
0x1: {  	s0 =	srdreg.scid;
	s6 =	rddreg [dreg:$0x0]  }
0x2: {  	s3 =	rddreg [dreg:$0x1];
	s1 =	sshll.u32 s0, $0x4  }
0x3: {  	s5 =	simm.s32 $0x1;
	s0 =	stileid.u32;
	s1 =	sand.u32 $0x10, s1  }
0x4: {  	s31 =	simm.s32 $0x2;
	s16 =	simm.s32 $0x0;
	s1 =	sor.u32 s0, s1  }
0x5: {  	s8 =	simm.s32 $0x8000;
	s18 =	simm.s32 $0x0;
	s2 =	sshll.u32 s1, $0x7  }
0x6: {  	s17 =	simm.s32 $0x0;
	s9 =	simm.s32 $0x0;
	s4 =	ssub.s32 $0x1000, s2  }
0x7: {  	s10 =	simm.s32 $0x0;
	s11 =	simm.s32 $0x0;
	s30 =	sand.u32 $0xF80, s4  }
0x8: {  	s12 =	simm.s32 $0x0;
	s13 =	simm.s32 $0x0;
	p0 =	sne.s32 s30, $0x0  }
.Ltmp0:
0x9: {  	s7 =	sshrl.u32 s4, $0xC;
	s5 =	simm.s32 @!p0 $0x0;
	(pc) =	sbr.rel .LBB1_1-.Ltmp0, $4  }
0xa: {  	s15 =	simm.s32 $0x0;
	s1 =	rddreg [dreg:$0x2];
	s5 =	sadd.s32 s5, s7  }
0xb: {  	_ =	strace $0x8000004A;
	s4 =	simm.s32 $0x1;
	s5 =	smul.u32 $0xA0, s5  }
0xc: {  	s6 =	sadd.s32 $0x800, s6;
	s14 =	smov.u32 s2;
	[sflag:s4] =	ssyncpa.u1 $0x0  }
0xd: {  	[sflag:s31] =	ssyncpa.u1 $0x0;
	p0 =	por $0x0, $0x0;
	s7 =	sor.u32 $0x1, s5  }
.LBB1_4:
0xe: {  	s23 =	sshra.s32 s23, $0x2;
	s30 =	sshll.u32 s9, $0xC  }
0xf: {  	p1 =	sgt.s32 s10, $0x13;
	s24 =	smov.u32 s10;
	s25 =	sshra.s32 s10, $0x1F  }
0x10: {  	s26 =	sshll.u32 s11, $0x3;
	s28 =	smov.u32 s11;
	s29 =	sshra.s32 s11, $0x1F  }
0x11: {  	s22 =	sadd.s32 s23, s22;
	s24 =	simm.s32 @!p1 $0x13;
	s25 =	sand.u32 s25, s10  }
0x12: {  	s23 =	sand.u32 $0xFFFF8000, s30;
	s27 =	sand.u32 $0xFFFFFC00, s26;
	p1 =	sgt.s32 s9, $0x368  }
0x13: {  	s31 =	sand.u32 s29, s11;
	s29 =	sshll.u32 s9, $0x7;
	s30 =	sshra.s32 s9, $0x1F  }
0x14: {  	[tilespmem:s21+$0x2040 ss:$0x81] =	vst.msk $0xffff, v4;
	s24 =	ssub.s32 s24, s25;
	s23 =	sadd.s32 s27, s23;
	s27 =	smov.u32 s9  }
0x15: {  	[tilespmem:s21+$0x2850 ss:$0x81] =	vst.msk $0xffff, v3;
	s29 =	sand.u32 $0x380, s29;
	s25 =	sadd.s32 $0xFFFFFFED, s24;
	s27 =	simm.s32 @!p1 $0x368  }
0x16: {  	v5 =	vld [tilespmem:s20+$0xFFFFFFD0];
	[tilespmem:s21+$0x3060 ss:$0x81] =	vst.msk $0xffff, v2;
	p1 =	sgt.s32 s11, $0xF80;
	s23 =	sshrl.u32 s23, $0xC;
	s24 =	ssub.s32 $0x14, s24  }
0x17: {  	v58 =	vld [tilespmem:s20+$0xFFFFFFE0];
	[tilespmem:s21+$0x0 ss:$0x81] =	vst.msk $0xffff, v1;
	s28 =	simm.s32 @!p1 $0xF80;
	p1 =	sgt.s32 s25, $0x0;
	s21 =	smulhi.u32 $0x418938, s23  }
0x18: {  	v59 =	vld [tilespmem:s20+$0xFFFFFFF0];
	s25 =	ssub.s32 s28, s31;
	s28 =	sand.u32 s30, s9;
	s24 =	simm.s32 @p1 $0x0  }
0x19: {  	v60 =	vld [tilespmem:s20+$0x0];
	s27 =	ssub.s32 s27, s28;
	s31 =	sadd.s32 $0xFFFFF080, s25;
	s25 =	ssub.s32 $0x1000, s25  }
0x1a: {  	v61 =	vld [tilespmem:s20+$0x10];
	[tilespmem:s22+$0x3870 ss:$0x81] =	vst.msk $0xffff, v0;
	s21 =	smul.u32 $0x3E8, s21;
	s28 =	sand.u32 $0x7, s11;
	p1 =	sgt.s32 s31, $0x7F  }
0x1b: {  	v62 =	vld [tilespmem:s20+$0x20];
	[tilespmem:s22+$0x810 ss:$0x81] =	vst.msk $0xffff, v5;
	s30 =	sadd.s32 $0xFFFFFC98, s27;
	s31 =	sand.u32 $0x78, s11;
	s25 =	simm.s32 @p1 $0x0  }
0x1c: {  	v63 =	vld [tilespmem:s20+$0xFFFFFFC0];
	[tilespmem:s22+$0x1020 ss:$0x81] =	vst.msk $0xffff, v58;
	p1 =	sgt.s32 s30, $0x7F;
	s30 =	sand.u32 $0xC00, s26;
	s24 =	smul.u32 s25, s24  }
0x1d: {  	[tilespmem:s22+$0x1830 ss:$0x81] =	vst.msk $0xffff, v59;
	s26 =	ssub.s32 $0x3E8, s27;
	s20 =	sor.u32 s31, s30;
	s31 =	smul.u32 $0x7D000, s10  }
0x1e: {  	[tilespmem:s22+$0x2040 ss:$0x81] =	vst.msk $0xffff, v60;
	s21 =	ssub.s32 s23, s21;
	s26 =	simm.s32 @p1 $0x0;
	s20 =	sor.u32 s29, s20  }
0x1f: {  	[tilespmem:s22+$0x2850 ss:$0x81] =	vst.msk $0xffff, v61;
	s26 =	smul.u32 s26, s24;
	s20 =	sshrl.u32 s20, $0x3;
	s27 =	sadd.s32 s3, s31  }
0x20: {  	[tilespmem:s22+$0x3060 ss:$0x81] =	vst.msk $0xffff, v62;
	s21 =	sshll.u32 s21, $0x9;
	s29 =	sshll.u32 s28, $0x12;
	s20 =	sadd.s32 s20, s27  }
0x21: {  	[tilespmem:s22+$0x0 ss:$0x81] =	vst.msk $0xffff, v63;
	s31 =	sor.u32 $0x400, s29;
	s30 =	sand.u32 $0x3FFFFFFF, s26;
	s20 =	sadd.s32 s21, s20  }
0x22: {  	[hbm4b:s20+s31] =	stream.strided.scatter [tilespmem:s19], [sflag:$0x2], s30, s8, s31, $0x20;
	[tilespmem:$0x10100] =	vst v63  }
.LBB1_5:
0x23: {  	p1 =	slt.u32 s15, $0x2  }
0x24: {  	p2 =	sgt.s32 @!p1 s18, $0x13  }
0x25: {  	s19 =	smov.u32 s18;
	s20 =	sshra.s32 @!p1 s18, $0x1F;
	p2 =	por !p2, p1  }
0x26: {  	s18 =	sand.u32 @!p1 s20, s18;
	s19 =	simm.s32 @p2 $0x13  }
0x27: {  	p3 =	sgt.s32 @!p1 s16, $0x368;
	s18 =	ssub.s32 @!p1 s19, s18  }
0x28: {  	p4 =	sgt.s32 @!p1 s17, $0xF80;
	s21 =	sshra.s32 @!p1 s17, $0x1F;
	s19 =	sadd.s32 @!p1 $0xFFFFFFED, s18  }
0x29: {  	s20 =	smov.u32 s16;
	p2 =	sgt.s32 @!p1 s19, $0x0;
	s19 =	sshra.s32 @!p1 s16, $0x1F  }
0x2a: {  	p4 =	por !p4, p1;
	s16 =	sand.u32 @!p1 s19, s16;
	s19 =	smov.u32 s17  }
0x2b: {  	p3 =	por !p3, p1;
	s17 =	sand.u32 @!p1 s21, s17;
	s19 =	simm.s32 @p4 $0xF80  }
0x2c: {  	s20 =	simm.s32 @p3 $0x368;
	s18 =	ssub.s32 @!p1 $0x14, s18;
	s17 =	ssub.s32 @!p1 s19, s17  }
0x2d: {  	p2 =	por !p2, p1;
	s16 =	ssub.s32 @!p1 s20, s16;
	s20 =	sadd.s32 @!p1 $0xFFFFF080, s17  }
0x2e: {  	s18 =	simm.s32 @!p2 $0x0;
	p3 =	sgt.s32 @!p1 s20, $0x7F  }
0x2f: {  	s19 =	sadd.s32 @!p1 $0xFFFFFC98, s16;
	s17 =	ssub.s32 @!p1 $0x1000, s17;
	p3 =	por !p3, p1  }
0x30: {  	p2 =	sgt.s32 @!p1 s19, $0x7F;
	s19 =	sadd.s32 $0x80, s12;
	s17 =	simm.s32 @!p3 $0x0  }
0x31: {  	p3 =	sgt.s32 s19, $0x3E7;
	s17 =	smul.u32 @!p1 s17, s18;
	s18 =	simm.s32 $0x1  }
0x32: {  	s16 =	ssub.s32 @!p1 $0x3E8, s16;
	p2 =	por !p2, p1;
	s18 =	simm.s32 @!p3 $0x0  }
0x33: {  	s21 =	smov.u32 s14;
	s16 =	simm.s32 @!p2 $0x0;
	s20 =	sadd.s32 s18, s13  }
0x34: {  	s16 =	smul.u32 @!p1 s16, s17;
	s17 =	sadd.s32 $0x1000, s14;
	p2 =	sgt.s32 s20, $0x13  }
0x35: {  	p0 =	por !p0, !p0;
	s22 =	simm.s32 @!p1 $0x2;
	s21 =	smov.u32 @p2 s17  }
0x36: {  	s19 =	simm.s32 @p3 $0x0;
	s20 =	simm.s32 @p2 $0x0;
	p2 =	sgt.s32 s21, $0xFFF  }
0x37: {  	s18 =	smov.u32 s10;
	s21 =	smov.u32 @p2 s2;
	p2 =	sne.s32 s15, s7  }
.Ltmp1:
0x38: {  	s10 =	smov.u32 s13;
	s16 =	sand.u32 @!p1 $0x3FFFFFFF, s16;
	(pc) =	sbr.rel @!p2 .LBB1_6-.Ltmp1, $4  }
0x39: {  	s17 =	smov.u32 s11;
	s11 =	smov.u32 s14;
	_ =	swait.ge @!p1 [sflag:s22], s16  }
0x3a: {  	s23 =	ssub.s32 @!p1 $0x0, s16;
	s16 =	smov.u32 s9;
	s9 =	smov.u32 s12  }
0x3b: {  	s12 =	smov.u32 s19;
	s13 =	smov.u32 s20;
	[sflag:s22] =	ssyncset.done @!p1 $0x0  }
0x3c: {  	s15 =	sadd.s32 $0x1, s15;
	[sflag:s22] =	ssyncadd.s32 @!p1 s23;
	s14 =	smov.u32 s21  }
.LBB1_1:
0x3d: {  	p1 =	sge.u32 s15, s5  }
0x3e: {  	s19 =	sshll.u32 @!p1 s13, $0xA  }
0x3f: {  	s20 =	sshll.u32 @!p1 s12, $0x3;
	s19 =	sand.u32 @!p1 $0xFFFFE000, s19  }
0x40: {  	s19 =	sadd.s32 @!p1 s19, s20  }
0x41: {  	s19 =	sshrl.u32 @!p1 s19, $0xA  }
0x42: {  	s20 =	smulhi.u32 @!p1 $0xAAAAAAB, s19  }
0x43: {  	s21 =	sshll.u32 @!p1 s13, $0x7;
	s23 =	smul.u32 @!p1 $0xC00, s14  }
0x44: {  	s22 =	sand.u32 @!p1 $0x78, s12;
	s21 =	sand.u32 @!p1 $0x380, s21;
	s20 =	smul.u32 @!p1 $0x18, s20  }
0x45: {  	s31 =	sadd.s32 $0xFFFFFFFF, s15;
	s21 =	sor.u32 @!p1 s22, s21;
	s22 =	sadd.s32 @!p1 s6, s23  }
0x46: {  	s21 =	sshrl.u32 @!p1 s21, $0x3;
	s19 =	ssub.s32 @!p1 s19, s20;
	s20 =	sxor.u32 @!p1 $0xFFFFFFFF, s15  }
0x47: {  	s21 =	sadd.s32 @!p1 s21, s22;
	s22 =	sand.u32 @!p1 $0x7, s12;
	s20 =	sshll.u32 @!p1 s20, $0xE  }
0x48: {  	s22 =	sshll.u32 @!p1 s22, $0x12;
	s19 =	sshll.u32 @!p1 s19, $0x7;
	s20 =	sand.u32 @!p1 $0x4000, s20  }
0x49: {  	s19 =	sadd.s32 @!p1 s19, s21;
	s21 =	sor.u32 @!p1 $0x80, s22;
	s22 =	simm.s32 @!p1 $0x6000  }
0x4a: {  	[tilespmem:s20], [sflag:$0x1] =	stream.strided.gather @!p1 [hbm4b:s19+s21], $0x4000, s22, s21, $0x38;
	[tilespmem:$0x10100] =	vst v63  }
0x4b: {  	p1 =	sge.u32 s31, s5  }
.Ltmp2:
0x4c: {  	_ = 	snop;
	(pc) =	sbr.rel @p1 .LBB1_5-.Ltmp2, $1  }
0x4d: {  	_ =	sdelay $0x3  }
0x4e: {  	s19 =	simm.s32 $0x1  }
0x4f: {  	_ =	swait.ge [sflag:s4], $0x4000;
	s19 =	simm.s32 @!p0 $0x0  }
0x50: {  	[sflag:s4] =	ssyncset.done $0x0;
	s20 =	sshll.u32 s19, $0xE  }
0x51: {  	[sflag:s4] =	ssyncadd.s32 $0xFFFFC000;
	s20 =	sor.u32 $0x40, s20  }
0x52: {  	s19 =	smul.u32 $0x10200, s19;
	v0 =	vld [tilespmem:s20+$0x30]  }
0x53: {  	v1 =	vld [tilespmem:s20+$0xFFFFFFD0]  }
0x54: {  	s19 =	sshrl.u32 s19, $0x2;
	v5 =	vld [tilespmem:s20+$0xFFFFFFE0]  }
0x55: {  	v6 =	vld [tilespmem:s20+$0xFFFFFFF0];
	s22 =	sor.u32 $0x8000, s19  }
0x56: {  	s31 =	sand.u32 $0x1, s15;
	v4 =	vld [tilespmem:s20+$0x0];
	s21 =	sadd.s32 $0x0, s22  }
0x57: {  	v3 =	vld [tilespmem:s20+$0x10];
	s19 =	smul.u32 $0x10200, s31;
	[tilespmem:s21+$0x3870 ss:$0x81] =	vst.msk $0xffff, v0  }
0x58: {  	v2 =	vld [tilespmem:s20+$0x20];
	[tilespmem:s21+$0x810 ss:$0x81] =	vst.msk $0xffff, v1  }
0x59: {  	s19 =	sshrl.u32 s19, $0x2;
	v1 =	vld [tilespmem:s20+$0xFFFFFFC0];
	[tilespmem:s21+$0x1020 ss:$0x81] =	vst.msk $0xffff, v5;
	s20 =	sadd.s32 $0x80, s20  }
0x5a: {  	s23 =	simm.s32 $0x4;
	s24 =	simm.s32 $0x8;
	s19 =	sor.u32 $0x8000, s19;
	[tilespmem:s21+$0x1830 ss:$0x81] =	vst.msk $0xffff, v6;
	v0 =	vld [tilespmem:s20+$0x30]  }
.LBB1_3:
0x5b: {  	p1 =	sne.s32 s24, $0x1FC;
	v5 =	vld [tilespmem:s20+$0xFFFFFFD0];
	[tilespmem:s21+$0x2040 ss:$0x81] =	vst.msk $0xffff, v4  }
0x5c: {  	v6 =	vld [tilespmem:s20+$0xFFFFFFE0];
	[tilespmem:s21+$0x2850 ss:$0x81] =	vst.msk $0xffff, v3  }
0x5d: {  	s25 =	sshra.s32 s23, $0x2;
	s23 =	smov.u32 s24;
	v7 =	vld [tilespmem:s20+$0xFFFFFFF0];
	[tilespmem:s21+$0x3060 ss:$0x81] =	vst.msk $0xffff, v2  }
.Ltmp3:
0x5e: {  	v4 =	vld [tilespmem:s20+$0x0];
	[tilespmem:s21+$0x0 ss:$0x81] =	vst.msk $0xffff, v1;
	s21 =	sadd.s32 s25, s22;
	(pc) =	sbr.rel @p1 .LBB1_3-.Ltmp3, $4  }
0x5f: {  	v3 =	vld [tilespmem:s20+$0x10];
	[tilespmem:s21+$0x3870 ss:$0x81] =	vst.msk $0xffff, v0  }
0x60: {  	[tilespmem:s21+$0x810 ss:$0x81] =	vst.msk $0xffff, v5;
	v2 =	vld [tilespmem:s20+$0x20]  }
0x61: {  	v1 =	vld [tilespmem:s20+$0xFFFFFFC0];
	[tilespmem:s21+$0x1020 ss:$0x81] =	vst.msk $0xffff, v6;
	s20 =	sadd.s32 $0x80, s20  }
0x62: {  	s24 =	sadd.s32 $0x4, s24;
	v0 =	vld [tilespmem:s20+$0x30];
	[tilespmem:s21+$0x1830 ss:$0x81] =	vst.msk $0xffff, v7  }
.Ltmp4:
0x63: {  	_ = 	snop;
	(pc) =	sbr.rel .LBB1_4-.Ltmp4, $1  }
0x64: {  	_ =	sdelay $0x3  }
.LBB1_6:
0x65: {  	_ =	sfence.sel $0x180000  }
0x66: {  	s2 =	simm.s32 $0x1;
	[bflag:$0x0] =	sbarrier.arrive $0xFFFF  }
0x67: {  	s31 =	simm.s32 $0x2;
	[sflag:s2] =	ssyncpa.u1 $0x1  }
0x68: {  	[sflag:s31] =	ssyncpa.u1 $0x1  }
0x69: {  	p0 =	sne.s32 s0, $0x0;
	_ =	strace $0x9000004A  }
0x6a: {  	s0 =	sadd.s32 @!p0 $0x100000, s1;
	[bflag:$0x2] =	sbarrier.arrive $0xFFFF  }
0x6b: {  	[sflag:s0] =	ssyncadd.tile.s32 @!p0 $0x1;
	_ =	shalt  }
.Lfunc_end1:
_tile_overlayer_lowered:
.L_overlay_start_2:
0x6c: {  	(tag) =	ssettag $0x2  }
0x6d: {  	s0 =	rddreg [dreg:$0x0];
	s2 =	stileid.u32  }
0x6e: {  	s1 =	rddreg [dreg:$0x1];
	p0 =	sne.s32 s2, $0x0  }
0x6f: {  	s3 =	rddreg [dreg:$0x2];
	[bflag:$0x3] =	sbarrier.arrive $0xFFFF;
	s2 =	simm.s32 @!p0 $0x1C01  }
0x70: {  	[timem:s3], [sflag:s2] =	dma.local @!p0 [hbm:s0], s1  }
0x71: {  	s0 =	simm.s32 @!p0 $0x1  }
0x72: {  	_ =	swait.ge @!p0 [sflag:s0], s1  }
0x73: {  	s1 =	ssub.s32 @!p0 $0x0, s1;
	[sflag:s0] =	ssyncset.done @!p0 $0x0  }
0x74: {  	[sflag:s0] =	ssyncadd.s32 @!p0 s1  }
0x75: {  	[bflag:$0x3] =	sbarrier.arrive $0xFFFF  }
0x76: {  	_ =	shalt  }

</sc_bundles>
